<compile_context>
chip_gen: v7x
topology: tpu7x:2x2x1
jax: 0.10.2.dev20260603
libtpu: 0.0.44.dev20260713+nightly
codegen_flags: <defaults>
</compile_context>

<pallas_src>
import functools

import jax
import jax.numpy as jnp
from jax import lax
from jax.experimental import pallas as pl
from jax.experimental.pallas import tpu as pltpu
from jax.experimental.pallas import tpu_sc as plsc

NC = 2
NS = 16
NW = NC * NS
LANES = 16


def _sigmoid(v):
    return 1.0 / (1.0 + jnp.exp(-v))


def kernel(x, edge_index, edge_weight, W, b):
    N, F_in = x.shape
    F_out = W.shape[0]
    E = edge_weight.shape[0]

    E_per = E // NW
    n_pad = -(-N // 1024) * 1024
    rows_per_tile = n_pad // NS
    ZR = 64
    nz = rows_per_tile // ZR
    CH = 80
    n_ch = E_per // CH
    FL = F_out // LANES

    mesh = plsc.VectorSubcoreMesh(core_axis_name="c", subcore_axis_name="s")

    @functools.partial(
        pl.kernel, mesh=mesh,
        compiler_params=pltpu.CompilerParams(needs_layout_passes=False),
        out_type=jax.ShapeDtypeStruct((NW, n_pad), jnp.float32),
        scratch_types=[
            pltpu.VMEM((n_pad,), jnp.float32),
            pltpu.VMEM((E_per,), jnp.int32),
            pltpu.VMEM((E_per,), jnp.float32),
        ],
    )
    def deg_kernel(col_hbm, ew_hbm, deg_hbm, deg_v, col_v, ewv):
        cid = lax.axis_index("c")
        sid = lax.axis_index("s")
        wid = sid * NC + cid
        base = wid * E_per
        zero16 = jnp.zeros((LANES,), jnp.float32)

        def zb(i, carry):
            deg_v[pl.ds(i * LANES, LANES)] = zero16
            return carry
        lax.fori_loop(0, n_pad // LANES, zb, 0)

        pltpu.sync_copy(col_hbm.at[pl.ds(base, E_per)], col_v)
        pltpu.sync_copy(ew_hbm.at[pl.ds(base, E_per)], ewv)

        def acc(i, carry):
            idx = col_v[pl.ds(i * LANES, LANES)]
            s = _sigmoid(ewv[pl.ds(i * LANES, LANES)])
            plsc.addupdate_scatter(deg_v, [idx], s)
            return carry
        lax.fori_loop(0, E_per // LANES, acc, 0)

        pltpu.sync_copy(deg_v, deg_hbm.at[wid])

    row_ids = edge_index[0]
    col_ids = edge_index[1]
    degp = deg_kernel(col_ids, edge_weight)

    BN = 256
    nb = n_pad // BN
    x_pad = jnp.pad(x, ((0, n_pad - N), (0, 0)))

    def g_body(x_ref, w_ref, dp_ref, g_ref):
        h = lax.dot_general(x_ref[...], w_ref[...], (((1,), (1,)), ((), ())),
                            preferred_element_type=jnp.float32)
        deg = jnp.sum(dp_ref[...], axis=0) + 1.0
        dinv = lax.rsqrt(deg)
        g_ref[...] = h * dinv[:, None]

    g = pl.pallas_call(
        g_body,
        grid=(nb,),
        in_specs=[
            pl.BlockSpec((BN, F_in), lambda i: (i, 0)),
            pl.BlockSpec((F_out, F_in), lambda i: (0, 0)),
            pl.BlockSpec((NW, BN), lambda i: (0, i)),
        ],
        out_specs=pl.BlockSpec((BN, F_out), lambda i: (i, 0)),
        out_shape=jax.ShapeDtypeStruct((n_pad, F_out), jnp.float32),
    )(x_pad, W, degp)

    @functools.partial(
        pl.kernel, mesh=mesh,
        compiler_params=pltpu.CompilerParams(needs_layout_passes=False),
        out_type=jax.ShapeDtypeStruct((NC, n_pad, F_out), jnp.float32),
        scratch_types=[
            pltpu.VMEM((E_per,), jnp.int32),
            pltpu.VMEM((E_per,), jnp.float32),
            pltpu.VMEM((CH,), jnp.int32),
            pltpu.VMEM((CH, 128), jnp.float32),
            pltpu.VMEM((ZR, 128), jnp.float32),
            pltpu.VMEM_SHARED((n_pad, 128), jnp.float32),
            pltpu.SemaphoreType.DMA,
        ],
    )
    def edge_kernel(g_hbm, row_hbm, col_hbm, ew_hbm, acc_hbm,
                    row_v, ewv, col_v, rows_v, zbuf, acc_sh, sem):
        cid = lax.axis_index("c")
        sid = lax.axis_index("s")
        wid = sid * NC + cid
        base = wid * E_per
        zero16 = jnp.zeros((LANES,), jnp.float32)

        def zb(i, carry):
            zbuf[i // FL, pl.ds((i % FL) * LANES, LANES)] = zero16
            return carry
        lax.fori_loop(0, ZR * FL, zb, 0)

        def zacc(t, carry):
            pltpu.sync_copy(
                zbuf, acc_sh.at[pl.ds(sid * rows_per_tile + t * ZR, ZR)])
            return carry
        lax.fori_loop(0, nz, zacc, 0)

        plsc.subcore_barrier()

        pltpu.sync_copy(row_hbm.at[pl.ds(base, E_per)], row_v)
        pltpu.sync_copy(ew_hbm.at[pl.ds(base, E_per)], ewv)

        def chunk(ci, carry):
            off = ci * CH
            pltpu.sync_copy(col_hbm.at[pl.ds(base + off, CH)], col_v)
            pltpu.async_copy(g_hbm.at[row_v.at[pl.ds(off, CH)]],
                             rows_v, sem).wait()

            def scale16(gi, c2):
                sv = _sigmoid(ewv[pl.ds(off + gi * LANES, LANES)])
                for k in range(LANES):
                    e = gi * LANES + k
                    s = sv[k]
                    for j in range(FL):
                        sl = pl.ds(j * LANES, LANES)
                        rows_v[e, sl] = rows_v[e, sl] * s
                return c2
            lax.fori_loop(0, CH // LANES, scale16, 0)

            pltpu.sync_copy(rows_v, acc_sh.at[col_v], add=True)
            return carry
        lax.fori_loop(0, n_ch, chunk, 0)

        plsc.subcore_barrier()
        pltpu.sync_copy(
            acc_sh.at[pl.ds(sid * rows_per_tile, rows_per_tile)],
            acc_hbm.at[cid, pl.ds(sid * rows_per_tile, rows_per_tile)])

    accs = edge_kernel(g, row_ids, col_ids, edge_weight)

    def out_body(a_ref, g_ref, dp_ref, b_ref, o_ref):
        deg = jnp.sum(dp_ref[...], axis=0) + 1.0
        dinv = lax.rsqrt(deg)
        o_ref[...] = dinv[:, None] * (a_ref[0] + a_ref[1] + g_ref[...]) + b_ref[...]

    out = pl.pallas_call(
        out_body,
        grid=(nb,),
        in_specs=[
            pl.BlockSpec((NC, BN, F_out), lambda i: (0, i, 0)),
            pl.BlockSpec((BN, F_out), lambda i: (i, 0)),
            pl.BlockSpec((NW, BN), lambda i: (0, i)),
            pl.BlockSpec((1, F_out), lambda i: (0, 0)),
        ],
        out_specs=pl.BlockSpec((BN, F_out), lambda i: (i, 0)),
        out_shape=jax.ShapeDtypeStruct((n_pad, F_out), jnp.float32),
    )(accs, g, degp, b.reshape(1, F_out))
    return out[:N]

# --- scband reference (transcript-rebuilt; emitter-appended) ---
"""Pipeline reference for scband-graph-encoder-8761733284233 (READ-ONLY COPY).

The authoritative reference and input builder live on the scoring server;
editing this copy changes nothing except your own understanding.
"""

import jax, jax.numpy as jnp
import numpy as np

N = 10000
E = 320000
F_IN = 128
F_OUT = 128

def setup_inputs(seed: int = 0) -> dict:
    key = jax.random.key(seed)
    k1, k2, k3, k4 = jax.random.split(key, 4)
    x = jax.random.normal(k1, (N, F_IN), dtype=jnp.float32)
    edge_index = jax.random.randint(k2, (2, E), 0, N, dtype=jnp.int32)
    edge_weight = jax.random.normal(k3, (E,), dtype=jnp.float32)
    limit = float(np.sqrt(6.0 / (F_IN + F_OUT)))
    W = jax.random.uniform(k4, (F_OUT, F_IN), minval=-limit, maxval=limit, dtype=jnp.float32)
    b = jnp.zeros((F_OUT,), dtype=jnp.float32)
    return {"x": x, "edge_index": edge_index, "edge_weight": edge_weight, "W": W, "b": b}

def reference(x, edge_index, edge_weight, W, b):
    # GraphEncoder -> GCN -> GCNConv(x, edge_index, edge_weight.sigmoid())
    ew = jax.nn.sigmoid(edge_weight)
    n = x.shape[0]
    # gcn_norm with add_self_loops=True (fill_value = 1.0)
    loop = jnp.arange(n, dtype=edge_index.dtype)
    row = jnp.concatenate([edge_index[0], loop])
    col = jnp.concatenate([edge_index[1], loop])
    w = jnp.concatenate([ew, jnp.ones((n,), dtype=ew.dtype)])
    deg = jax.ops.segment_sum(w, col, num_segments=n)
    dinv = jnp.where(deg > 0, jax.lax.rsqrt(jnp.maximum(deg, 1e-12)), 0.0)
    norm = dinv[row] * w * dinv[col]
    # linear transform (no bias inside lin), then propagate (scatter-add to target=col)
    h = x @ W.T
    msg = h[row] * norm[:, None]
    out = jax.ops.segment_sum(msg, col, num_segments=n)
    return out + b

if __name__ == "__main__":
    import jax
    _d = setup_inputs()
    print(jax.jit(kernel)(*tuple(_d.values())))

</pallas_src>

<mosaic_0001>
#map = affine_map<(d0, d1) -> (0)>
#map1 = affine_map<(d0, d1) -> (0, 0)>
module attributes {stable_mosaic.version = 14 : i64} {
  func.func @deg_kernel(%arg0: i32, %arg1: i32, %arg2: memref<320000xi32, #tpu.memory_space<hbm>>, %arg3: memref<320000xf32, #tpu.memory_space<hbm>>, %arg4: memref<32x10240xf32, #tpu.memory_space<hbm>>, %arg5: memref<10240xf32, #tpu.memory_space<vmem>>, %arg6: memref<10000xi32, #tpu.memory_space<vmem>>, %arg7: memref<10000xf32, #tpu.memory_space<vmem>>) attributes {dimension_semantics = [#tpu.dimension_semantics<core_parallel>, #tpu.dimension_semantics<subcore_parallel>], iteration_bounds = array<i64: 2, 16>, scalar_prefetch = 0 : i64, scratch_operands = 3 : i64, tpu.core_type = #tpu.core_type<sc_vector_subcore>, window_params = [{transform_indices = #map}, {transform_indices = #map}, {transform_indices = #map1}]} {
    %mul3A = arith.constant 2 : i32
    %mul3A_0 = arith.muli %arg1, %mul3A : i32
    %add3A = arith.addi %mul3A_0, %arg0 : i32
    %mul3A_1 = arith.constant 10000 : i32
    %mul3A_2 = arith.muli %add3A, %mul3A_1 : i32
    %broadcast_in_dim3A = arith.constant 0.000000e+00 : f32
    %broadcast_in_dim3A_3 = vector.broadcast %broadcast_in_dim3A : f32 to vector<16xf32>
    %scan3A = arith.constant 0 : i32
    %scan3A_4 = arith.constant 0 : i32
    %scan3A_5 = arith.constant 640 : i32
    %scan3A_6 = arith.addi %scan3A_4, %scan3A_5 : i32
    %scan3A_7 = arith.constant 1 : i32
    scf.for %scan3A_15 = %scan3A_4 to %scan3A_6 step %scan3A_7  : i32 {
      %mul3A_16 = arith.constant 16 : i32
      %mul3A_17 = arith.muli %scan3A_15, %mul3A_16 : i32
      %swap3A = arith.index_cast %mul3A_17 : i32 to index
      %swap3A_18 = tpu.vector_load %arg5[%swap3A] {strides = array<i32>} : memref<10240xf32, #tpu.memory_space<vmem>>, vector<16xf32>,
      tpu.vector_store %arg5[%swap3A], %broadcast_in_dim3A_3 {strides = array<i32>} : memref<10240xf32, #tpu.memory_space<vmem>>, vector<16xf32>,
    }
    %scan3A_8 = arith.constant 640 : i32
    "tpu.region"() ({
      %run_scoped3A = tpu.sem_alloc : memref<!tpu.dma_semaphore, #tpu.memory_space<semaphore_mem>>
      %dma_start3A = tpu.memref_slice %arg2[%mul3A_2] : memref<320000xi32, #tpu.memory_space<hbm>> -> memref<10000xi32, #tpu.memory_space<hbm>>
      %dma_start3A_15 = tpu.memref_slice %arg2[%mul3A_2] : memref<320000xi32, #tpu.memory_space<hbm>> -> memref<10000xi32, #tpu.memory_space<hbm>>
      tpu.enqueue_dma source(%dma_start3A_15 : memref<10000xi32, #tpu.memory_space<hbm>>) target(%arg6 : memref<10000xi32, #tpu.memory_space<vmem>>) target_semaphore(%run_scoped3A : memref<!tpu.dma_semaphore, #tpu.memory_space<semaphore_mem>>)
      %dma_wait3A = tpu.memref_slice %arg2[%mul3A_2] : memref<320000xi32, #tpu.memory_space<hbm>> -> memref<10000xi32, #tpu.memory_space<hbm>>
      %dma_wait3A_16 = tpu.memref_slice %arg2[%mul3A_2] : memref<320000xi32, #tpu.memory_space<hbm>> -> memref<10000xi32, #tpu.memory_space<hbm>>
      tpu.wait_dma2 semaphore(%run_scoped3A : memref<!tpu.dma_semaphore, #tpu.memory_space<semaphore_mem>>) src(%dma_wait3A_16 : memref<10000xi32, #tpu.memory_space<hbm>>) dst(%arg6 : memref<10000xi32, #tpu.memory_space<vmem>>)
      tpu.yield
    }) : () -> ()
    "tpu.region"() ({
      %run_scoped3A = tpu.sem_alloc : memref<!tpu.dma_semaphore, #tpu.memory_space<semaphore_mem>>
      %dma_start3A = tpu.memref_slice %arg3[%mul3A_2] : memref<320000xf32, #tpu.memory_space<hbm>> -> memref<10000xf32, #tpu.memory_space<hbm>>
      %dma_start3A_15 = tpu.memref_slice %arg3[%mul3A_2] : memref<320000xf32, #tpu.memory_space<hbm>> -> memref<10000xf32, #tpu.memory_space<hbm>>
      tpu.enqueue_dma source(%dma_start3A_15 : memref<10000xf32, #tpu.memory_space<hbm>>) target(%arg7 : memref<10000xf32, #tpu.memory_space<vmem>>) target_semaphore(%run_scoped3A : memref<!tpu.dma_semaphore, #tpu.memory_space<semaphore_mem>>)
      %dma_wait3A = tpu.memref_slice %arg3[%mul3A_2] : memref<320000xf32, #tpu.memory_space<hbm>> -> memref<10000xf32, #tpu.memory_space<hbm>>
      %dma_wait3A_16 = tpu.memref_slice %arg3[%mul3A_2] : memref<320000xf32, #tpu.memory_space<hbm>> -> memref<10000xf32, #tpu.memory_space<hbm>>
      tpu.wait_dma2 semaphore(%run_scoped3A : memref<!tpu.dma_semaphore, #tpu.memory_space<semaphore_mem>>) src(%dma_wait3A_16 : memref<10000xf32, #tpu.memory_space<hbm>>) dst(%arg7 : memref<10000xf32, #tpu.memory_space<vmem>>)
      tpu.yield
    }) : () -> ()
    %scan3A_9 = arith.constant 0 : i32
    %scan3A_10 = arith.constant 0 : i32
    %scan3A_11 = arith.constant 625 : i32
    %scan3A_12 = arith.addi %scan3A_10, %scan3A_11 : i32
    %scan3A_13 = arith.constant 1 : i32
    scf.for %scan3A_15 = %scan3A_10 to %scan3A_12 step %scan3A_13  : i32 {
      %mul3A_16 = arith.constant 16 : i32
      %mul3A_17 = arith.muli %scan3A_15, %mul3A_16 : i32
      %get3A = arith.index_cast %mul3A_17 : i32 to index
      %get3A_18 = tpu.vector_load %arg6[%get3A] {strides = array<i32>} : memref<10000xi32, #tpu.memory_space<vmem>>, vector<16xi32>,
      %mul3A_19 = arith.constant 16 : i32
      %mul3A_20 = arith.muli %scan3A_15, %mul3A_19 : i32
      %get3A_21 = arith.index_cast %mul3A_20 : i32 to index
      %get3A_22 = tpu.vector_load %arg7[%get3A_21] {strides = array<i32>} : memref<10000xf32, #tpu.memory_space<vmem>>, vector<16xf32>,
      %neg3A = arith.constant 0.000000e+00 : f32
      %neg3A_23 = vector.broadcast %neg3A : f32 to vector<16xf32>
      %neg3A_24 = arith.subf %neg3A_23, %get3A_22 : vector<16xf32>
      %exp3A = math.exp %neg3A_24 : vector<16xf32>
      %add3A_25 = arith.constant 1.000000e+00 : f32
      %add3A_26 = vector.broadcast %add3A_25 : f32 to vector<16xf32>
      %add3A_27 = arith.addf %add3A_26, %exp3A : vector<16xf32>
      %div3A = arith.constant 1.000000e+00 : f32
      %div3A_28 = vector.broadcast %div3A : f32 to vector<16xf32>
      %div3A_29 = arith.divf %div3A_28, %add3A_27 : vector<16xf32>
      tpu.vector_store_idx %arg5[%get3A_18], %div3A_29 {add = true} : memref<10240xf32, #tpu.memory_space<vmem>>[vector<16xi32>], vector<16xf32>,
    }
    %scan3A_14 = arith.constant 625 : i32
    "tpu.region"() ({
      %run_scoped3A = tpu.sem_alloc : memref<!tpu.dma_semaphore, #tpu.memory_space<semaphore_mem>>
      %dma_start3A = arith.constant 0 : i32
      %dma_start3A_15 = tpu.memref_slice %arg4[%add3A, %dma_start3A] : memref<32x10240xf32, #tpu.memory_space<hbm>> -> memref<1x10240xf32, #tpu.memory_space<hbm>>
      %dma_start3A_16 = tpu.memref_squeeze %dma_start3A_15 : memref<1x10240xf32, #tpu.memory_space<hbm>> -> memref<10240xf32, #tpu.memory_space<hbm>>
      %dma_start3A_17 = arith.constant 0 : i32
      %dma_start3A_18 = tpu.memref_slice %arg4[%add3A, %dma_start3A_17] : memref<32x10240xf32, #tpu.memory_space<hbm>> -> memref<1x10240xf32, #tpu.memory_space<hbm>>
      %dma_start3A_19 = tpu.memref_squeeze %dma_start3A_18 : memref<1x10240xf32, #tpu.memory_space<hbm>> -> memref<10240xf32, #tpu.memory_space<hbm>>
      tpu.enqueue_dma source(%arg5 : memref<10240xf32, #tpu.memory_space<vmem>>) target(%dma_start3A_19 : memref<10240xf32, #tpu.memory_space<hbm>>) target_semaphore(%run_scoped3A : memref<!tpu.dma_semaphore, #tpu.memory_space<semaphore_mem>>)
      %dma_wait3A = arith.constant 0 : i32
      %dma_wait3A_20 = tpu.memref_slice %arg4[%add3A, %dma_wait3A] : memref<32x10240xf32, #tpu.memory_space<hbm>> -> memref<1x10240xf32, #tpu.memory_space<hbm>>
      %dma_wait3A_21 = tpu.memref_squeeze %dma_wait3A_20 : memref<1x10240xf32, #tpu.memory_space<hbm>> -> memref<10240xf32, #tpu.memory_space<hbm>>
      %dma_wait3A_22 = arith.constant 0 : i32
      %dma_wait3A_23 = tpu.memref_slice %arg4[%add3A, %dma_wait3A_22] : memref<32x10240xf32, #tpu.memory_space<hbm>> -> memref<1x10240xf32, #tpu.memory_space<hbm>>
      %dma_wait3A_24 = tpu.memref_squeeze %dma_wait3A_23 : memref<1x10240xf32, #tpu.memory_space<hbm>> -> memref<10240xf32, #tpu.memory_space<hbm>>
      tpu.wait_dma2 semaphore(%run_scoped3A : memref<!tpu.dma_semaphore, #tpu.memory_space<semaphore_mem>>) src(%arg5 : memref<10240xf32, #tpu.memory_space<vmem>>) dst(%dma_wait3A_24 : memref<10240xf32, #tpu.memory_space<hbm>>)
      tpu.yield
    }) : () -> ()
    return
  }
}

#map = affine_map<(d0, d1) -> (0, 0)>
#map1 = affine_map<(d0, d1) -> (0)>
#map2 = affine_map<(d0, d1) -> (0, 0, 0)>
module attributes {stable_mosaic.version = 14 : i64} {
  func.func @edge_kernel(%arg0: i32, %arg1: i32, %arg2: memref<10240x128xf32, #tpu.memory_space<hbm>>, %arg3: memref<320000xi32, #tpu.memory_space<hbm>>, %arg4: memref<320000xi32, #tpu.memory_space<hbm>>, %arg5: memref<320000xf32, #tpu.memory_space<hbm>>, %arg6: memref<2x10240x128xf32, #tpu.memory_space<hbm>>, %arg7: memref<10000xi32, #tpu.memory_space<vmem>>, %arg8: memref<10000xf32, #tpu.memory_space<vmem>>, %arg9: memref<80xi32, #tpu.memory_space<vmem>>, %arg10: memref<80x128xf32, #tpu.memory_space<vmem>>, %arg11: memref<64x128xf32, #tpu.memory_space<vmem>>, %arg12: memref<10240x128xf32, #tpu.memory_space<vmem_shared>>, %arg13: memref<!tpu.dma_semaphore, #tpu.memory_space<semaphore_mem>>) attributes {dimension_semantics = [#tpu.dimension_semantics<core_parallel>, #tpu.dimension_semantics<subcore_parallel>], iteration_bounds = array<i64: 2, 16>, scalar_prefetch = 0 : i64, scratch_operands = 7 : i64, tpu.core_type = #tpu.core_type<sc_vector_subcore>, window_params = [{transform_indices = #map}, {transform_indices = #map1}, {transform_indices = #map1}, {transform_indices = #map1}, {transform_indices = #map2}]} {
    %mul3A = arith.constant 2 : i32
    %mul3A_0 = arith.muli %arg1, %mul3A : i32
    %add3A = arith.addi %mul3A_0, %arg0 : i32
    %mul3A_1 = arith.constant 10000 : i32
    %mul3A_2 = arith.muli %add3A, %mul3A_1 : i32
    %broadcast_in_dim3A = arith.constant 0.000000e+00 : f32
    %broadcast_in_dim3A_3 = vector.broadcast %broadcast_in_dim3A : f32 to vector<16xf32>
    %scan3A = arith.constant 0 : i32
    %scan3A_4 = arith.constant 0 : i32
    %scan3A_5 = arith.constant 512 : i32
    %scan3A_6 = arith.addi %scan3A_4, %scan3A_5 : i32
    %scan3A_7 = arith.constant 1 : i32
    scf.for %scan3A_26 = %scan3A_4 to %scan3A_6 step %scan3A_7  : i32 {
      %jit3A = arith.constant 8 : i32
      %div3A = arith.divsi %scan3A_26, %jit3A : i32
      %sign3A = arith.constant 0 : i32
      %sign3A_27 = arith.cmpi sgt, %scan3A_26, %sign3A : i32
      %sign3A_28 = arith.extui %sign3A_27 : i1 to i32
      %sign3A_29 = arith.constant 0 : i32
      %sign3A_30 = arith.cmpi slt, %scan3A_26, %sign3A_29 : i32
      %sign3A_31 = arith.extui %sign3A_30 : i1 to i32
      %sign3A_32 = arith.subi %sign3A_28, %sign3A_31 : i32
      %sign3A_33 = arith.constant 0 : i32
      %sign3A_34 = arith.cmpi sgt, %jit3A, %sign3A_33 : i32
      %sign3A_35 = arith.extui %sign3A_34 : i1 to i32
      %sign3A_36 = arith.constant 0 : i32
      %sign3A_37 = arith.cmpi slt, %jit3A, %sign3A_36 : i32
      %sign3A_38 = arith.extui %sign3A_37 : i1 to i32
      %sign3A_39 = arith.subi %sign3A_35, %sign3A_38 : i32
      %ne3A = arith.cmpi ne, %sign3A_32, %sign3A_39 : i32
      %rem3A = arith.remsi %scan3A_26, %jit3A : i32
      %ne3A_40 = arith.constant 0 : i32
      %ne3A_41 = arith.cmpi ne, %rem3A, %ne3A_40 : i32
      %and3A = arith.andi %ne3A, %ne3A_41 : i1
      %sub3A = arith.constant 1 : i32
      %sub3A_42 = arith.subi %div3A, %sub3A : i32
      %select_n3A = arith.select %and3A, %sub3A_42, %div3A : i32
      %jit3A_43 = arith.constant 8 : i32
      %eq3A = arith.constant 0 : i32
      %eq3A_44 = arith.cmpi eq, %jit3A_43, %eq3A : i32
      %jit3A_45 = arith.constant 1 : i32
      %select_n3A_46 = arith.select %eq3A_44, %jit3A_45, %jit3A_43 : i32
      %rem3A_47 = arith.remsi %scan3A_26, %select_n3A_46 : i32
      %ne3A_48 = arith.constant 0 : i32
      %ne3A_49 = arith.cmpi ne, %rem3A_47, %ne3A_48 : i32
      %lt3A = arith.constant 0 : i32
      %lt3A_50 = arith.cmpi slt, %rem3A_47, %lt3A : i32
      %lt3A_51 = arith.constant 0 : i32
      %lt3A_52 = arith.cmpi slt, %select_n3A_46, %lt3A_51 : i32
      %ne3A_53 = arith.xori %lt3A_50, %lt3A_52 : i1
      %and3A_54 = arith.andi %ne3A_53, %ne3A_49 : i1
      %add3A_55 = arith.addi %rem3A_47, %select_n3A_46 : i32
      %select_n3A_56 = arith.select %and3A_54, %add3A_55, %rem3A_47 : i32
      %mul3A_57 = arith.constant 16 : i32
      %mul3A_58 = arith.muli %select_n3A_56, %mul3A_57 : i32
      %swap3A = arith.index_cast %select_n3A : i32 to index
      %swap3A_59 = arith.index_cast %mul3A_58 : i32 to index
      %swap3A_60 = tpu.vector_load %arg11[%swap3A, %swap3A_59] {strides = array<i32>} : memref<64x128xf32, #tpu.memory_space<vmem>>, vector<16xf32>,
      tpu.vector_store %arg11[%swap3A, %swap3A_59], %broadcast_in_dim3A_3 {strides = array<i32>} : memref<64x128xf32, #tpu.memory_space<vmem>>, vector<16xf32>,
    }
    %scan3A_8 = arith.constant 512 : i32
    %scan3A_9 = arith.constant 0 : i32
    %scan3A_10 = arith.constant 0 : i32
    %scan3A_11 = arith.constant 10 : i32
    %scan3A_12 = arith.addi %scan3A_10, %scan3A_11 : i32
    %scan3A_13 = arith.constant 1 : i32
    scf.for %scan3A_26 = %scan3A_10 to %scan3A_12 step %scan3A_13  : i32 {
      %mul3A_27 = arith.constant 640 : i32
      %mul3A_28 = arith.muli %arg1, %mul3A_27 : i32
      %mul3A_29 = arith.constant 64 : i32
      %mul3A_30 = arith.muli %scan3A_26, %mul3A_29 : i32
      %add3A_31 = arith.addi %mul3A_28, %mul3A_30 : i32
      "tpu.region"() ({
        %run_scoped3A = tpu.sem_alloc : memref<!tpu.dma_semaphore, #tpu.memory_space<semaphore_mem>>
        %dma_start3A = arith.constant 0 : i32
        %dma_start3A_32 = tpu.memref_slice %arg12[%add3A_31, %dma_start3A] : memref<10240x128xf32, #tpu.memory_space<vmem_shared>> -> memref<64x128xf32, #tpu.memory_space<vmem_shared>>
        %dma_start3A_33 = arith.constant 0 : i32
        %dma_start3A_34 = tpu.memref_slice %arg12[%add3A_31, %dma_start3A_33] : memref<10240x128xf32, #tpu.memory_space<vmem_shared>> -> memref<64x128xf32, #tpu.memory_space<vmem_shared>>
        tpu.enqueue_dma source(%arg11 : memref<64x128xf32, #tpu.memory_space<vmem>>) target(%dma_start3A_34 : memref<64x128xf32, #tpu.memory_space<vmem_shared>>) target_semaphore(%run_scoped3A : memref<!tpu.dma_semaphore, #tpu.memory_space<semaphore_mem>>)
        %dma_wait3A = arith.constant 0 : i32
        %dma_wait3A_35 = tpu.memref_slice %arg12[%add3A_31, %dma_wait3A] : memref<10240x128xf32, #tpu.memory_space<vmem_shared>> -> memref<64x128xf32, #tpu.memory_space<vmem_shared>>
        %dma_wait3A_36 = arith.constant 0 : i32
        %dma_wait3A_37 = tpu.memref_slice %arg12[%add3A_31, %dma_wait3A_36] : memref<10240x128xf32, #tpu.memory_space<vmem_shared>> -> memref<64x128xf32, #tpu.memory_space<vmem_shared>>
        tpu.wait_dma2 semaphore(%run_scoped3A : memref<!tpu.dma_semaphore, #tpu.memory_space<semaphore_mem>>) src(%arg11 : memref<64x128xf32, #tpu.memory_space<vmem>>) dst(%dma_wait3A_37 : memref<64x128xf32, #tpu.memory_space<vmem_shared>>)
        tpu.yield
      }) : () -> ()
    }
    %scan3A_14 = arith.constant 10 : i32
    %barrier3A = arith.constant 0 : index
    tpu.barrier barrier_id(%barrier3A)
    "tpu.region"() ({
      %run_scoped3A = tpu.sem_alloc : memref<!tpu.dma_semaphore, #tpu.memory_space<semaphore_mem>>
      %dma_start3A = tpu.memref_slice %arg3[%mul3A_2] : memref<320000xi32, #tpu.memory_space<hbm>> -> memref<10000xi32, #tpu.memory_space<hbm>>
      %dma_start3A_26 = tpu.memref_slice %arg3[%mul3A_2] : memref<320000xi32, #tpu.memory_space<hbm>> -> memref<10000xi32, #tpu.memory_space<hbm>>
      tpu.enqueue_dma source(%dma_start3A_26 : memref<10000xi32, #tpu.memory_space<hbm>>) target(%arg7 : memref<10000xi32, #tpu.memory_space<vmem>>) target_semaphore(%run_scoped3A : memref<!tpu.dma_semaphore, #tpu.memory_space<semaphore_mem>>)
      %dma_wait3A = tpu.memref_slice %arg3[%mul3A_2] : memref<320000xi32, #tpu.memory_space<hbm>> -> memref<10000xi32, #tpu.memory_space<hbm>>
      %dma_wait3A_27 = tpu.memref_slice %arg3[%mul3A_2] : memref<320000xi32, #tpu.memory_space<hbm>> -> memref<10000xi32, #tpu.memory_space<hbm>>
      tpu.wait_dma2 semaphore(%run_scoped3A : memref<!tpu.dma_semaphore, #tpu.memory_space<semaphore_mem>>) src(%dma_wait3A_27 : memref<10000xi32, #tpu.memory_space<hbm>>) dst(%arg7 : memref<10000xi32, #tpu.memory_space<vmem>>)
      tpu.yield
    }) : () -> ()
    "tpu.region"() ({
      %run_scoped3A = tpu.sem_alloc : memref<!tpu.dma_semaphore, #tpu.memory_space<semaphore_mem>>
      %dma_start3A = tpu.memref_slice %arg5[%mul3A_2] : memref<320000xf32, #tpu.memory_space<hbm>> -> memref<10000xf32, #tpu.memory_space<hbm>>
      %dma_start3A_26 = tpu.memref_slice %arg5[%mul3A_2] : memref<320000xf32, #tpu.memory_space<hbm>> -> memref<10000xf32, #tpu.memory_space<hbm>>
      tpu.enqueue_dma source(%dma_start3A_26 : memref<10000xf32, #tpu.memory_space<hbm>>) target(%arg8 : memref<10000xf32, #tpu.memory_space<vmem>>) target_semaphore(%run_scoped3A : memref<!tpu.dma_semaphore, #tpu.memory_space<semaphore_mem>>)
      %dma_wait3A = tpu.memref_slice %arg5[%mul3A_2] : memref<320000xf32, #tpu.memory_space<hbm>> -> memref<10000xf32, #tpu.memory_space<hbm>>
      %dma_wait3A_27 = tpu.memref_slice %arg5[%mul3A_2] : memref<320000xf32, #tpu.memory_space<hbm>> -> memref<10000xf32, #tpu.memory_space<hbm>>
      tpu.wait_dma2 semaphore(%run_scoped3A : memref<!tpu.dma_semaphore, #tpu.memory_space<semaphore_mem>>) src(%dma_wait3A_27 : memref<10000xf32, #tpu.memory_space<hbm>>) dst(%arg8 : memref<10000xf32, #tpu.memory_space<vmem>>)
      tpu.yield
    }) : () -> ()
    %scan3A_15 = arith.constant 0 : i32
    %scan3A_16 = arith.constant 0 : i32
    %scan3A_17 = arith.constant 125 : i32
    %scan3A_18 = arith.addi %scan3A_16, %scan3A_17 : i32
    %scan3A_19 = arith.constant 1 : i32
    scf.for %scan3A_26 = %scan3A_16 to %scan3A_18 step %scan3A_19  : i32 {
      %mul3A_27 = arith.constant 80 : i32
      %mul3A_28 = arith.muli %scan3A_26, %mul3A_27 : i32
      %add3A_29 = arith.addi %mul3A_2, %mul3A_28 : i32
      "tpu.region"() ({
        %run_scoped3A = tpu.sem_alloc : memref<!tpu.dma_semaphore, #tpu.memory_space<semaphore_mem>>
        %dma_start3A_42 = tpu.memref_slice %arg4[%add3A_29] : memref<320000xi32, #tpu.memory_space<hbm>> -> memref<80xi32, #tpu.memory_space<hbm>>
        %dma_start3A_43 = tpu.memref_slice %arg4[%add3A_29] : memref<320000xi32, #tpu.memory_space<hbm>> -> memref<80xi32, #tpu.memory_space<hbm>>
        tpu.enqueue_dma source(%dma_start3A_43 : memref<80xi32, #tpu.memory_space<hbm>>) target(%arg9 : memref<80xi32, #tpu.memory_space<vmem>>) target_semaphore(%run_scoped3A : memref<!tpu.dma_semaphore, #tpu.memory_space<semaphore_mem>>)
        %dma_wait3A_44 = tpu.memref_slice %arg4[%add3A_29] : memref<320000xi32, #tpu.memory_space<hbm>> -> memref<80xi32, #tpu.memory_space<hbm>>
        %dma_wait3A_45 = tpu.memref_slice %arg4[%add3A_29] : memref<320000xi32, #tpu.memory_space<hbm>> -> memref<80xi32, #tpu.memory_space<hbm>>
        tpu.wait_dma2 semaphore(%run_scoped3A : memref<!tpu.dma_semaphore, #tpu.memory_space<semaphore_mem>>) src(%dma_wait3A_45 : memref<80xi32, #tpu.memory_space<hbm>>) dst(%arg9 : memref<80xi32, #tpu.memory_space<vmem>>)
        tpu.yield
      }) : () -> ()
      %dma_start3A = tpu.memref_slice %arg7[%mul3A_28] : memref<10000xi32, #tpu.memory_space<vmem>> -> memref<80xi32, #tpu.memory_space<vmem>>
      %dma_start3A_30 = arith.constant 0 : i32
      %dma_start3A_31 = arith.constant 0 : i32
      %dma_start3A_32 = tpu.memref_slice %arg2[%dma_start3A_30, %dma_start3A_31] : memref<10240x128xf32, #tpu.memory_space<hbm>> -> memref<10240x128xf32, #tpu.memory_space<hbm>>
      tpu.enqueue_indirect_dma source(%dma_start3A_32 : memref<10240x128xf32, #tpu.memory_space<hbm>>) target(%arg10 : memref<80x128xf32, #tpu.memory_space<vmem>>) offsets(%dma_start3A : memref<80xi32, #tpu.memory_space<vmem>>) semaphore(%arg13 : memref<!tpu.dma_semaphore, #tpu.memory_space<semaphore_mem>>)
      %dma_wait3A = tpu.memref_slice %arg7[%mul3A_28] : memref<10000xi32, #tpu.memory_space<vmem>> -> memref<80xi32, #tpu.memory_space<vmem>>
      %dma_wait3A_33 = arith.constant 0 : i32
      %dma_wait3A_34 = arith.constant 0 : i32
      %dma_wait3A_35 = tpu.memref_slice %arg2[%dma_wait3A_33, %dma_wait3A_34] : memref<10240x128xf32, #tpu.memory_space<hbm>> -> memref<10240x128xf32, #tpu.memory_space<hbm>>
      tpu.wait_indirect_dma semaphore(%arg13 : memref<!tpu.dma_semaphore, #tpu.memory_space<semaphore_mem>>) src(%dma_wait3A_35 : memref<10240x128xf32, #tpu.memory_space<hbm>>) dst(%arg10 : memref<80x128xf32, #tpu.memory_space<vmem>>)
      %scan3A_36 = arith.constant 0 : i32
      %scan3A_37 = arith.constant 0 : i32
      %scan3A_38 = arith.constant 5 : i32
      %scan3A_39 = arith.addi %scan3A_37, %scan3A_38 : i32
      %scan3A_40 = arith.constant 1 : i32
      scf.for %scan3A_42 = %scan3A_37 to %scan3A_39 step %scan3A_40  : i32 {
        %mul3A_43 = arith.constant 16 : i32
        %mul3A_44 = arith.muli %scan3A_42, %mul3A_43 : i32
        %add3A_45 = arith.addi %mul3A_28, %mul3A_44 : i32
        %get3A = arith.index_cast %add3A_45 : i32 to index
        %get3A_46 = tpu.vector_load %arg8[%get3A] {strides = array<i32>} : memref<10000xf32, #tpu.memory_space<vmem>>, vector<16xf32>,
        %neg3A = arith.constant 0.000000e+00 : f32
        %neg3A_47 = vector.broadcast %neg3A : f32 to vector<16xf32>
        %neg3A_48 = arith.subf %neg3A_47, %get3A_46 : vector<16xf32>
        %exp3A = math.exp %neg3A_48 : vector<16xf32>
        %add3A_49 = arith.constant 1.000000e+00 : f32
        %add3A_50 = vector.broadcast %add3A_49 : f32 to vector<16xf32>
        %add3A_51 = arith.addf %add3A_50, %exp3A : vector<16xf32>
        %div3A = arith.constant 1.000000e+00 : f32
        %div3A_52 = vector.broadcast %div3A : f32 to vector<16xf32>
        %div3A_53 = arith.divf %div3A_52, %add3A_51 : vector<16xf32>
        %mul3A_54 = arith.constant 16 : i32
        %mul3A_55 = arith.muli %scan3A_42, %mul3A_54 : i32
        %add3A_56 = arith.constant 0 : i32
        %add3A_57 = arith.addi %mul3A_55, %add3A_56 : i32
        %slice3A = vector.extract_strided_slice %div3A_53 {offsets = [0], sizes = [1], strides = [1]} : vector<16xf32> to vector<1xf32>
        %squeeze3A = vector.extract %slice3A[0] : f32 from vector<1xf32>
        %get3A_58 = arith.index_cast %add3A_57 : i32 to index
        %get3A_59 = arith.constant 0 : index
        %get3A_60 = tpu.vector_load %arg10[%get3A_58, %get3A_59] {strides = array<i32>} : memref<80x128xf32, #tpu.memory_space<vmem>>, vector<16xf32>,
        %mul3A_61 = vector.broadcast %squeeze3A : f32 to vector<16xf32>
        %mul3A_62 = arith.mulf %get3A_60, %mul3A_61 : vector<16xf32>
        %swap3A = arith.index_cast %add3A_57 : i32 to index
        %swap3A_63 = arith.constant 0 : index
        %swap3A_64 = tpu.vector_load %arg10[%swap3A, %swap3A_63] {strides = array<i32>} : memref<80x128xf32, #tpu.memory_space<vmem>>, vector<16xf32>,
        tpu.vector_store %arg10[%swap3A, %swap3A_63], %mul3A_62 {strides = array<i32>} : memref<80x128xf32, #tpu.memory_space<vmem>>, vector<16xf32>,
        %get3A_65 = arith.index_cast %add3A_57 : i32 to index
        %get3A_66 = arith.constant 16 : index
        %get3A_67 = tpu.vector_load %arg10[%get3A_65, %get3A_66] {strides = array<i32>} : memref<80x128xf32, #tpu.memory_space<vmem>>, vector<16xf32>,
        %mul3A_68 = vector.broadcast %squeeze3A : f32 to vector<16xf32>
        %mul3A_69 = arith.mulf %get3A_67, %mul3A_68 : vector<16xf32>
        %swap3A_70 = arith.index_cast %add3A_57 : i32 to index
        %swap3A_71 = arith.constant 16 : index
        %swap3A_72 = tpu.vector_load %arg10[%swap3A_70, %swap3A_71] {strides = array<i32>} : memref<80x128xf32, #tpu.memory_space<vmem>>, vector<16xf32>,
        tpu.vector_store %arg10[%swap3A_70, %swap3A_71], %mul3A_69 {strides = array<i32>} : memref<80x128xf32, #tpu.memory_space<vmem>>, vector<16xf32>,
        %get3A_73 = arith.index_cast %add3A_57 : i32 to index
        %get3A_74 = arith.constant 32 : index
        %get3A_75 = tpu.vector_load %arg10[%get3A_73, %get3A_74] {strides = array<i32>} : memref<80x128xf32, #tpu.memory_space<vmem>>, vector<16xf32>,
        %mul3A_76 = vector.broadcast %squeeze3A : f32 to vector<16xf32>
        %mul3A_77 = arith.mulf %get3A_75, %mul3A_76 : vector<16xf32>
        %swap3A_78 = arith.index_cast %add3A_57 : i32 to index
        %swap3A_79 = arith.constant 32 : index
        %swap3A_80 = tpu.vector_load %arg10[%swap3A_78, %swap3A_79] {strides = array<i32>} : memref<80x128xf32, #tpu.memory_space<vmem>>, vector<16xf32>,
        tpu.vector_store %arg10[%swap3A_78, %swap3A_79], %mul3A_77 {strides = array<i32>} : memref<80x128xf32, #tpu.memory_space<vmem>>, vector<16xf32>,
        %get3A_81 = arith.index_cast %add3A_57 : i32 to index
        %get3A_82 = arith.constant 48 : index
        %get3A_83 = tpu.vector_load %arg10[%get3A_81, %get3A_82] {strides = array<i32>} : memref<80x128xf32, #tpu.memory_space<vmem>>, vector<16xf32>,
        %mul3A_84 = vector.broadcast %squeeze3A : f32 to vector<16xf32>
        %mul3A_85 = arith.mulf %get3A_83, %mul3A_84 : vector<16xf32>
        %swap3A_86 = arith.index_cast %add3A_57 : i32 to index
        %swap3A_87 = arith.constant 48 : index
        %swap3A_88 = tpu.vector_load %arg10[%swap3A_86, %swap3A_87] {strides = array<i32>} : memref<80x128xf32, #tpu.memory_space<vmem>>, vector<16xf32>,
        tpu.vector_store %arg10[%swap3A_86, %swap3A_87], %mul3A_85 {strides = array<i32>} : memref<80x128xf32, #tpu.memory_space<vmem>>, vector<16xf32>,
        %get3A_89 = arith.index_cast %add3A_57 : i32 to index
        %get3A_90 = arith.constant 64 : index
        %get3A_91 = tpu.vector_load %arg10[%get3A_89, %get3A_90] {strides = array<i32>} : memref<80x128xf32, #tpu.memory_space<vmem>>, vector<16xf32>,
        %mul3A_92 = vector.broadcast %squeeze3A : f32 to vector<16xf32>
        %mul3A_93 = arith.mulf %get3A_91, %mul3A_92 : vector<16xf32>
        %swap3A_94 = arith.index_cast %add3A_57 : i32 to index
        %swap3A_95 = arith.constant 64 : index
        %swap3A_96 = tpu.vector_load %arg10[%swap3A_94, %swap3A_95] {strides = array<i32>} : memref<80x128xf32, #tpu.memory_space<vmem>>, vector<16xf32>,
        tpu.vector_store %arg10[%swap3A_94, %swap3A_95], %mul3A_93 {strides = array<i32>} : memref<80x128xf32, #tpu.memory_space<vmem>>, vector<16xf32>,
        %get3A_97 = arith.index_cast %add3A_57 : i32 to index
        %get3A_98 = arith.constant 80 : index
        %get3A_99 = tpu.vector_load %arg10[%get3A_97, %get3A_98] {strides = array<i32>} : memref<80x128xf32, #tpu.memory_space<vmem>>, vector<16xf32>,
        %mul3A_100 = vector.broadcast %squeeze3A : f32 to vector<16xf32>
        %mul3A_101 = arith.mulf %get3A_99, %mul3A_100 : vector<16xf32>
        %swap3A_102 = arith.index_cast %add3A_57 : i32 to index
        %swap3A_103 = arith.constant 80 : index
        %swap3A_104 = tpu.vector_load %arg10[%swap3A_102, %swap3A_103] {strides = array<i32>} : memref<80x128xf32, #tpu.memory_space<vmem>>, vector<16xf32>,
        tpu.vector_store %arg10[%swap3A_102, %swap3A_103], %mul3A_101 {strides = array<i32>} : memref<80x128xf32, #tpu.memory_space<vmem>>, vector<16xf32>,
        %get3A_105 = arith.index_cast %add3A_57 : i32 to index
        %get3A_106 = arith.constant 96 : index
        %get3A_107 = tpu.vector_load %arg10[%get3A_105, %get3A_106] {strides = array<i32>} : memref<80x128xf32, #tpu.memory_space<vmem>>, vector<16xf32>,
        %mul3A_108 = vector.broadcast %squeeze3A : f32 to vector<16xf32>
        %mul3A_109 = arith.mulf %get3A_107, %mul3A_108 : vector<16xf32>
        %swap3A_110 = arith.index_cast %add3A_57 : i32 to index
        %swap3A_111 = arith.constant 96 : index
        %swap3A_112 = tpu.vector_load %arg10[%swap3A_110, %swap3A_111] {strides = array<i32>} : memref<80x128xf32, #tpu.memory_space<vmem>>, vector<16xf32>,
        tpu.vector_store %arg10[%swap3A_110, %swap3A_111], %mul3A_109 {strides = array<i32>} : memref<80x128xf32, #tpu.memory_space<vmem>>, vector<16xf32>,
        %get3A_113 = arith.index_cast %add3A_57 : i32 to index
        %get3A_114 = arith.constant 112 : index
        %get3A_115 = tpu.vector_load %arg10[%get3A_113, %get3A_114] {strides = array<i32>} : memref<80x128xf32, #tpu.memory_space<vmem>>, vector<16xf32>,
        %mul3A_116 = vector.broadcast %squeeze3A : f32 to vector<16xf32>
        %mul3A_117 = arith.mulf %get3A_115, %mul3A_116 : vector<16xf32>
        %swap3A_118 = arith.index_cast %add3A_57 : i32 to index
        %swap3A_119 = arith.constant 112 : index
        %swap3A_120 = tpu.vector_load %arg10[%swap3A_118, %swap3A_119] {strides = array<i32>} : memref<80x128xf32, #tpu.memory_space<vmem>>, vector<16xf32>,
        tpu.vector_store %arg10[%swap3A_118, %swap3A_119], %mul3A_117 {strides = array<i32>} : memref<80x128xf32, #tpu.memory_space<vmem>>, vector<16xf32>,
        %mul3A_121 = arith.constant 16 : i32
        %mul3A_122 = arith.muli %scan3A_42, %mul3A_121 : i32
        %add3A_123 = arith.constant 1 : i32
        %add3A_124 = arith.addi %mul3A_122, %add3A_123 : i32
        %slice3A_125 = vector.extract_strided_slice %div3A_53 {offsets = [1], sizes = [1], strides = [1]} : vector<16xf32> to vector<1xf32>
        %squeeze3A_126 = vector.extract %slice3A_125[0] : f32 from vector<1xf32>
        %get3A_127 = arith.index_cast %add3A_124 : i32 to index
        %get3A_128 = arith.constant 0 : index
        %get3A_129 = tpu.vector_load %arg10[%get3A_127, %get3A_128] {strides = array<i32>} : memref<80x128xf32, #tpu.memory_space<vmem>>, vector<16xf32>,
        %mul3A_130 = vector.broadcast %squeeze3A_126 : f32 to vector<16xf32>
        %mul3A_131 = arith.mulf %get3A_129, %mul3A_130 : vector<16xf32>
        %swap3A_132 = arith.index_cast %add3A_124 : i32 to index
        %swap3A_133 = arith.constant 0 : index
        %swap3A_134 = tpu.vector_load %arg10[%swap3A_132, %swap3A_133] {strides = array<i32>} : memref<80x128xf32, #tpu.memory_space<vmem>>, vector<16xf32>,
        tpu.vector_store %arg10[%swap3A_132, %swap3A_133], %mul3A_131 {strides = array<i32>} : memref<80x128xf32, #tpu.memory_space<vmem>>, vector<16xf32>,
        %get3A_135 = arith.index_cast %add3A_124 : i32 to index
        %get3A_136 = arith.constant 16 : index
        %get3A_137 = tpu.vector_load %arg10[%get3A_135, %get3A_136] {strides = array<i32>} : memref<80x128xf32, #tpu.memory_space<vmem>>, vector<16xf32>,
        %mul3A_138 = vector.broadcast %squeeze3A_126 : f32 to vector<16xf32>
        %mul3A_139 = arith.mulf %get3A_137, %mul3A_138 : vector<16xf32>
        %swap3A_140 = arith.index_cast %add3A_124 : i32 to index
        %swap3A_141 = arith.constant 16 : index
        %swap3A_142 = tpu.vector_load %arg10[%swap3A_140, %swap3A_141] {strides = array<i32>} : memref<80x128xf32, #tpu.memory_space<vmem>>, vector<16xf32>,
        tpu.vector_store %arg10[%swap3A_140, %swap3A_141], %mul3A_139 {strides = array<i32>} : memref<80x128xf32, #tpu.memory_space<vmem>>, vector<16xf32>,
        %get3A_143 = arith.index_cast %add3A_124 : i32 to index
        %get3A_144 = arith.constant 32 : index
        %get3A_145 = tpu.vector_load %arg10[%get3A_143, %get3A_144] {strides = array<i32>} : memref<80x128xf32, #tpu.memory_space<vmem>>, vector<16xf32>,
        %mul3A_146 = vector.broadcast %squeeze3A_126 : f32 to vector<16xf32>
        %mul3A_147 = arith.mulf %get3A_145, %mul3A_146 : vector<16xf32>
        %swap3A_148 = arith.index_cast %add3A_124 : i32 to index
        %swap3A_149 = arith.constant 32 : index
        %swap3A_150 = tpu.vector_load %arg10[%swap3A_148, %swap3A_149] {strides = array<i32>} : memref<80x128xf32, #tpu.memory_space<vmem>>, vector<16xf32>,
        tpu.vector_store %arg10[%swap3A_148, %swap3A_149], %mul3A_147 {strides = array<i32>} : memref<80x128xf32, #tpu.memory_space<vmem>>, vector<16xf32>,
        %get3A_151 = arith.index_cast %add3A_124 : i32 to index
        %get3A_152 = arith.constant 48 : index
        %get3A_153 = tpu.vector_load %arg10[%get3A_151, %get3A_152] {strides = array<i32>} : memref<80x128xf32, #tpu.memory_space<vmem>>, vector<16xf32>,
        %mul3A_154 = vector.broadcast %squeeze3A_126 : f32 to vector<16xf32>
        %mul3A_155 = arith.mulf %get3A_153, %mul3A_154 : vector<16xf32>
        %swap3A_156 = arith.index_cast %add3A_124 : i32 to index
        %swap3A_157 = arith.constant 48 : index
        %swap3A_158 = tpu.vector_load %arg10[%swap3A_156, %swap3A_157] {strides = array<i32>} : memref<80x128xf32, #tpu.memory_space<vmem>>, vector<16xf32>,
        tpu.vector_store %arg10[%swap3A_156, %swap3A_157], %mul3A_155 {strides = array<i32>} : memref<80x128xf32, #tpu.memory_space<vmem>>, vector<16xf32>,
        %get3A_159 = arith.index_cast %add3A_124 : i32 to index
        %get3A_160 = arith.constant 64 : index
        %get3A_161 = tpu.vector_load %arg10[%get3A_159, %get3A_160] {strides = array<i32>} : memref<80x128xf32, #tpu.memory_space<vmem>>, vector<16xf32>,
        %mul3A_162 = vector.broadcast %squeeze3A_126 : f32 to vector<16xf32>
        %mul3A_163 = arith.mulf %get3A_161, %mul3A_162 : vector<16xf32>
        %swap3A_164 = arith.index_cast %add3A_124 : i32 to index
        %swap3A_165 = arith.constant 64 : index
        %swap3A_166 = tpu.vector_load %arg10[%swap3A_164, %swap3A_165] {strides = array<i32>} : memref<80x128xf32, #tpu.memory_space<vmem>>, vector<16xf32>,
        tpu.vector_store %arg10[%swap3A_164, %swap3A_165], %mul3A_163 {strides = array<i32>} : memref<80x128xf32, #tpu.memory_space<vmem>>, vector<16xf32>,
        %get3A_167 = arith.index_cast %add3A_124 : i32 to index
        %get3A_168 = arith.constant 80 : index
        %get3A_169 = tpu.vector_load %arg10[%get3A_167, %get3A_168] {strides = array<i32>} : memref<80x128xf32, #tpu.memory_space<vmem>>, vector<16xf32>,
        %mul3A_170 = vector.broadcast %squeeze3A_126 : f32 to vector<16xf32>
        %mul3A_171 = arith.mulf %get3A_169, %mul3A_170 : vector<16xf32>
        %swap3A_172 = arith.index_cast %add3A_124 : i32 to index
        %swap3A_173 = arith.constant 80 : index
        %swap3A_174 = tpu.vector_load %arg10[%swap3A_172, %swap3A_173] {strides = array<i32>} : memref<80x128xf32, #tpu.memory_space<vmem>>, vector<16xf32>,
        tpu.vector_store %arg10[%swap3A_172, %swap3A_173], %mul3A_171 {strides = array<i32>} : memref<80x128xf32, #tpu.memory_space<vmem>>, vector<16xf32>,
        %get3A_175 = arith.index_cast %add3A_124 : i32 to index
        %get3A_176 = arith.constant 96 : index
        %get3A_177 = tpu.vector_load %arg10[%get3A_175, %get3A_176] {strides = array<i32>} : memref<80x128xf32, #tpu.memory_space<vmem>>, vector<16xf32>,
        %mul3A_178 = vector.broadcast %squeeze3A_126 : f32 to vector<16xf32>
        %mul3A_179 = arith.mulf %get3A_177, %mul3A_178 : vector<16xf32>
        %swap3A_180 = arith.index_cast %add3A_124 : i32 to index
        %swap3A_181 = arith.constant 96 : index
        %swap3A_182 = tpu.vector_load %arg10[%swap3A_180, %swap3A_181] {strides = array<i32>} : memref<80x128xf32, #tpu.memory_space<vmem>>, vector<16xf32>,
        tpu.vector_store %arg10[%swap3A_180, %swap3A_181], %mul3A_179 {strides = array<i32>} : memref<80x128xf32, #tpu.memory_space<vmem>>, vector<16xf32>,
        %get3A_183 = arith.index_cast %add3A_124 : i32 to index
        %get3A_184 = arith.constant 112 : index
        %get3A_185 = tpu.vector_load %arg10[%get3A_183, %get3A_184] {strides = array<i32>} : memref<80x128xf32, #tpu.memory_space<vmem>>, vector<16xf32>,
        %mul3A_186 = vector.broadcast %squeeze3A_126 : f32 to vector<16xf32>
        %mul3A_187 = arith.mulf %get3A_185, %mul3A_186 : vector<16xf32>
        %swap3A_188 = arith.index_cast %add3A_124 : i32 to index
        %swap3A_189 = arith.constant 112 : index
        %swap3A_190 = tpu.vector_load %arg10[%swap3A_188, %swap3A_189] {strides = array<i32>} : memref<80x128xf32, #tpu.memory_space<vmem>>, vector<16xf32>,
        tpu.vector_store %arg10[%swap3A_188, %swap3A_189], %mul3A_187 {strides = array<i32>} : memref<80x128xf32, #tpu.memory_space<vmem>>, vector<16xf32>,
        %mul3A_191 = arith.constant 16 : i32
        %mul3A_192 = arith.muli %scan3A_42, %mul3A_191 : i32
        %add3A_193 = arith.constant 2 : i32
        %add3A_194 = arith.addi %mul3A_192, %add3A_193 : i32
        %slice3A_195 = vector.extract_strided_slice %div3A_53 {offsets = [2], sizes = [1], strides = [1]} : vector<16xf32> to vector<1xf32>
        %squeeze3A_196 = vector.extract %slice3A_195[0] : f32 from vector<1xf32>
        %get3A_197 = arith.index_cast %add3A_194 : i32 to index
        %get3A_198 = arith.constant 0 : index
        %get3A_199 = tpu.vector_load %arg10[%get3A_197, %get3A_198] {strides = array<i32>} : memref<80x128xf32, #tpu.memory_space<vmem>>, vector<16xf32>,
        %mul3A_200 = vector.broadcast %squeeze3A_196 : f32 to vector<16xf32>
        %mul3A_201 = arith.mulf %get3A_199, %mul3A_200 : vector<16xf32>
        %swap3A_202 = arith.index_cast %add3A_194 : i32 to index
        %swap3A_203 = arith.constant 0 : index
        %swap3A_204 = tpu.vector_load %arg10[%swap3A_202, %swap3A_203] {strides = array<i32>} : memref<80x128xf32, #tpu.memory_space<vmem>>, vector<16xf32>,
        tpu.vector_store %arg10[%swap3A_202, %swap3A_203], %mul3A_201 {strides = array<i32>} : memref<80x128xf32, #tpu.memory_space<vmem>>, vector<16xf32>,
        %get3A_205 = arith.index_cast %add3A_194 : i32 to index
        %get3A_206 = arith.constant 16 : index
        %get3A_207 = tpu.vector_load %arg10[%get3A_205, %get3A_206] {strides = array<i32>} : memref<80x128xf32, #tpu.memory_space<vmem>>, vector<16xf32>,
        %mul3A_208 = vector.broadcast %squeeze3A_196 : f32 to vector<16xf32>
        %mul3A_209 = arith.mulf %get3A_207, %mul3A_208 : vector<16xf32>
        %swap3A_210 = arith.index_cast %add3A_194 : i32 to index
        %swap3A_211 = arith.constant 16 : index
        %swap3A_212 = tpu.vector_load %arg10[%swap3A_210, %swap3A_211] {strides = array<i32>} : memref<80x128xf32, #tpu.memory_space<vmem>>, vector<16xf32>,
        tpu.vector_store %arg10[%swap3A_210, %swap3A_211], %mul3A_209 {strides = array<i32>} : memref<80x128xf32, #tpu.memory_space<vmem>>, vector<16xf32>,
        %get3A_213 = arith.index_cast %add3A_194 : i32 to index
        %get3A_214 = arith.constant 32 : index
        %get3A_215 = tpu.vector_load %arg10[%get3A_213, %get3A_214] {strides = array<i32>} : memref<80x128xf32, #tpu.memory_space<vmem>>, vector<16xf32>,
        %mul3A_216 = vector.broadcast %squeeze3A_196 : f32 to vector<16xf32>
        %mul3A_217 = arith.mulf %get3A_215, %mul3A_216 : vector<16xf32>
        %swap3A_218 = arith.index_cast %add3A_194 : i32 to index
        %swap3A_219 = arith.constant 32 : index
        %swap3A_220 = tpu.vector_load %arg10[%swap3A_218, %swap3A_219] {strides = array<i32>} : memref<80x128xf32, #tpu.memory_space<vmem>>, vector<16xf32>,
        tpu.vector_store %arg10[%swap3A_218, %swap3A_219], %mul3A_217 {strides = array<i32>} : memref<80x128xf32, #tpu.memory_space<vmem>>, vector<16xf32>,
        %get3A_221 = arith.index_cast %add3A_194 : i32 to index
        %get3A_222 = arith.constant 48 : index
        %get3A_223 = tpu.vector_load %arg10[%get3A_221, %get3A_222] {strides = array<i32>} : memref<80x128xf32, #tpu.memory_space<vmem>>, vector<16xf32>,
        %mul3A_224 = vector.broadcast %squeeze3A_196 : f32 to vector<16xf32>
        %mul3A_225 = arith.mulf %get3A_223, %mul3A_224 : vector<16xf32>
        %swap3A_226 = arith.index_cast %add3A_194 : i32 to index
        %swap3A_227 = arith.constant 48 : index
        %swap3A_228 = tpu.vector_load %arg10[%swap3A_226, %swap3A_227] {strides = array<i32>} : memref<80x128xf32, #tpu.memory_space<vmem>>, vector<16xf32>,
        tpu.vector_store %arg10[%swap3A_226, %swap3A_227], %mul3A_225 {strides = array<i32>} : memref<80x128xf32, #tpu.memory_space<vmem>>, vector<16xf32>,
        %get3A_229 = arith.index_cast %add3A_194 : i32 to index
        %get3A_230 = arith.constant 64 : index
        %get3A_231 = tpu.vector_load %arg10[%get3A_229, %get3A_230] {strides = array<i32>} : memref<80x128xf32, #tpu.memory_space<vmem>>, vector<16xf32>,
        %mul3A_232 = vector.broadcast %squeeze3A_196 : f32 to vector<16xf32>
        %mul3A_233 = arith.mulf %get3A_231, %mul3A_232 : vector<16xf32>
        %swap3A_234 = arith.index_cast %add3A_194 : i32 to index
        %swap3A_235 = arith.constant 64 : index
        %swap3A_236 = tpu.vector_load %arg10[%swap3A_234, %swap3A_235] {strides = array<i32>} : memref<80x128xf32, #tpu.memory_space<vmem>>, vector<16xf32>,
        tpu.vector_store %arg10[%swap3A_234, %swap3A_235], %mul3A_233 {strides = array<i32>} : memref<80x128xf32, #tpu.memory_space<vmem>>, vector<16xf32>,
        %get3A_237 = arith.index_cast %add3A_194 : i32 to index
        %get3A_238 = arith.constant 80 : index
        %get3A_239 = tpu.vector_load %arg10[%get3A_237, %get3A_238] {strides = array<i32>} : memref<80x128xf32, #tpu.memory_space<vmem>>, vector<16xf32>,
        %mul3A_240 = vector.broadcast %squeeze3A_196 : f32 to vector<16xf32>
        %mul3A_241 = arith.mulf %get3A_239, %mul3A_240 : vector<16xf32>
        %swap3A_242 = arith.index_cast %add3A_194 : i32 to index
        %swap3A_243 = arith.constant 80 : index
        %swap3A_244 = tpu.vector_load %arg10[%swap3A_242, %swap3A_243] {strides = array<i32>} : memref<80x128xf32, #tpu.memory_space<vmem>>, vector<16xf32>,
        tpu.vector_store %arg10[%swap3A_242, %swap3A_243], %mul3A_241 {strides = array<i32>} : memref<80x128xf32, #tpu.memory_space<vmem>>, vector<16xf32>,
        %get3A_245 = arith.index_cast %add3A_194 : i32 to index
        %get3A_246 = arith.constant 96 : index
        %get3A_247 = tpu.vector_load %arg10[%get3A_245, %get3A_246] {strides = array<i32>} : memref<80x128xf32, #tpu.memory_space<vmem>>, vector<16xf32>,
        %mul3A_248 = vector.broadcast %squeeze3A_196 : f32 to vector<16xf32>
        %mul3A_249 = arith.mulf %get3A_247, %mul3A_248 : vector<16xf32>
        %swap3A_250 = arith.index_cast %add3A_194 : i32 to index
        %swap3A_251 = arith.constant 96 : index
        %swap3A_252 = tpu.vector_load %arg10[%swap3A_250, %swap3A_251] {strides = array<i32>} : memref<80x128xf32, #tpu.memory_space<vmem>>, vector<16xf32>,
        tpu.vector_store %arg10[%swap3A_250, %swap3A_251], %mul3A_249 {strides = array<i32>} : memref<80x128xf32, #tpu.memory_space<vmem>>, vector<16xf32>,
        %get3A_253 = arith.index_cast %add3A_194 : i32 to index
        %get3A_254 = arith.constant 112 : index
        %get3A_255 = tpu.vector_load %arg10[%get3A_253, %get3A_254] {strides = array<i32>} : memref<80x128xf32, #tpu.memory_space<vmem>>, vector<16xf32>,
        %mul3A_256 = vector.broadcast %squeeze3A_196 : f32 to vector<16xf32>
        %mul3A_257 = arith.mulf %get3A_255, %mul3A_256 : vector<16xf32>
        %swap3A_258 = arith.index_cast %add3A_194 : i32 to index
        %swap3A_259 = arith.constant 112 : index
        %swap3A_260 = tpu.vector_load %arg10[%swap3A_258, %swap3A_259] {strides = array<i32>} : memref<80x128xf32, #tpu.memory_space<vmem>>, vector<16xf32>,
        tpu.vector_store %arg10[%swap3A_258, %swap3A_259], %mul3A_257 {strides = array<i32>} : memref<80x128xf32, #tpu.memory_space<vmem>>, vector<16xf32>,
        %mul3A_261 = arith.constant 16 : i32
        %mul3A_262 = arith.muli %scan3A_42, %mul3A_261 : i32
        %add3A_263 = arith.constant 3 : i32
        %add3A_264 = arith.addi %mul3A_262, %add3A_263 : i32
        %slice3A_265 = vector.extract_strided_slice %div3A_53 {offsets = [3], sizes = [1], strides = [1]} : vector<16xf32> to vector<1xf32>
        %squeeze3A_266 = vector.extract %slice3A_265[0] : f32 from vector<1xf32>
        %get3A_267 = arith.index_cast %add3A_264 : i32 to index
        %get3A_268 = arith.constant 0 : index
        %get3A_269 = tpu.vector_load %arg10[%get3A_267, %get3A_268] {strides = array<i32>} : memref<80x128xf32, #tpu.memory_space<vmem>>, vector<16xf32>,
        %mul3A_270 = vector.broadcast %squeeze3A_266 : f32 to vector<16xf32>
        %mul3A_271 = arith.mulf %get3A_269, %mul3A_270 : vector<16xf32>
        %swap3A_272 = arith.index_cast %add3A_264 : i32 to index
        %swap3A_273 = arith.constant 0 : index
        %swap3A_274 = tpu.vector_load %arg10[%swap3A_272, %swap3A_273] {strides = array<i32>} : memref<80x128xf32, #tpu.memory_space<vmem>>, vector<16xf32>,
        tpu.vector_store %arg10[%swap3A_272, %swap3A_273], %mul3A_271 {strides = array<i32>} : memref<80x128xf32, #tpu.memory_space<vmem>>, vector<16xf32>,
        %get3A_275 = arith.index_cast %add3A_264 : i32 to index
        %get3A_276 = arith.constant 16 : index
        %get3A_277 = tpu.vector_load %arg10[%get3A_275, %get3A_276] {strides = array<i32>} : memref<80x128xf32, #tpu.memory_space<vmem>>, vector<16xf32>,
        %mul3A_278 = vector.broadcast %squeeze3A_266 : f32 to vector<16xf32>
        %mul3A_279 = arith.mulf %get3A_277, %mul3A_278 : vector<16xf32>
        %swap3A_280 = arith.index_cast %add3A_264 : i32 to index
        %swap3A_281 = arith.constant 16 : index
        %swap3A_282 = tpu.vector_load %arg10[%swap3A_280, %swap3A_281] {strides = array<i32>} : memref<80x128xf32, #tpu.memory_space<vmem>>, vector<16xf32>,
        tpu.vector_store %arg10[%swap3A_280, %swap3A_281], %mul3A_279 {strides = array<i32>} : memref<80x128xf32, #tpu.memory_space<vmem>>, vector<16xf32>,
        %get3A_283 = arith.index_cast %add3A_264 : i32 to index
        %get3A_284 = arith.constant 32 : index
        %get3A_285 = tpu.vector_load %arg10[%get3A_283, %get3A_284] {strides = array<i32>} : memref<80x128xf32, #tpu.memory_space<vmem>>, vector<16xf32>,
        %mul3A_286 = vector.broadcast %squeeze3A_266 : f32 to vector<16xf32>
        %mul3A_287 = arith.mulf %get3A_285, %mul3A_286 : vector<16xf32>
        %swap3A_288 = arith.index_cast %add3A_264 : i32 to index
        %swap3A_289 = arith.constant 32 : index
        %swap3A_290 = tpu.vector_load %arg10[%swap3A_288, %swap3A_289] {strides = array<i32>} : memref<80x128xf32, #tpu.memory_space<vmem>>, vector<16xf32>,
        tpu.vector_store %arg10[%swap3A_288, %swap3A_289], %mul3A_287 {strides = array<i32>} : memref<80x128xf32, #tpu.memory_space<vmem>>, vector<16xf32>,
        %get3A_291 = arith.index_cast %add3A_264 : i32 to index
        %get3A_292 = arith.constant 48 : index
        %get3A_293 = tpu.vector_load %arg10[%get3A_291, %get3A_292] {strides = array<i32>} : memref<80x128xf32, #tpu.memory_space<vmem>>, vector<16xf32>,
        %mul3A_294 = vector.broadcast %squeeze3A_266 : f32 to vector<16xf32>
        %mul3A_295 = arith.mulf %get3A_293, %mul3A_294 : vector<16xf32>
        %swap3A_296 = arith.index_cast %add3A_264 : i32 to index
        %swap3A_297 = arith.constant 48 : index
        %swap3A_298 = tpu.vector_load %arg10[%swap3A_296, %swap3A_297] {strides = array<i32>} : memref<80x128xf32, #tpu.memory_space<vmem>>, vector<16xf32>,
        tpu.vector_store %arg10[%swap3A_296, %swap3A_297], %mul3A_295 {strides = array<i32>} : memref<80x128xf32, #tpu.memory_space<vmem>>, vector<16xf32>,
        %get3A_299 = arith.index_cast %add3A_264 : i32 to index
        %get3A_300 = arith.constant 64 : index
        %get3A_301 = tpu.vector_load %arg10[%get3A_299, %get3A_300] {strides = array<i32>} : memref<80x128xf32, #tpu.memory_space<vmem>>, vector<16xf32>,
        %mul3A_302 = vector.broadcast %squeeze3A_266 : f32 to vector<16xf32>
        %mul3A_303 = arith.mulf %get3A_301, %mul3A_302 : vector<16xf32>
        %swap3A_304 = arith.index_cast %add3A_264 : i32 to index
        %swap3A_305 = arith.constant 64 : index
        %swap3A_306 = tpu.vector_load %arg10[%swap3A_304, %swap3A_305] {strides = array<i32>} : memref<80x128xf32, #tpu.memory_space<vmem>>, vector<16xf32>,
        tpu.vector_store %arg10[%swap3A_304, %swap3A_305], %mul3A_303 {strides = array<i32>} : memref<80x128xf32, #tpu.memory_space<vmem>>, vector<16xf32>,
        %get3A_307 = arith.index_cast %add3A_264 : i32 to index
        %get3A_308 = arith.constant 80 : index
        %get3A_309 = tpu.vector_load %arg10[%get3A_307, %get3A_308] {strides = array<i32>} : memref<80x128xf32, #tpu.memory_space<vmem>>, vector<16xf32>,
        %mul3A_310 = vector.broadcast %squeeze3A_266 : f32 to vector<16xf32>
        %mul3A_311 = arith.mulf %get3A_309, %mul3A_310 : vector<16xf32>
        %swap3A_312 = arith.index_cast %add3A_264 : i32 to index
        %swap3A_313 = arith.constant 80 : index
        %swap3A_314 = tpu.vector_load %arg10[%swap3A_312, %swap3A_313] {strides = array<i32>} : memref<80x128xf32, #tpu.memory_space<vmem>>, vector<16xf32>,
        tpu.vector_store %arg10[%swap3A_312, %swap3A_313], %mul3A_311 {strides = array<i32>} : memref<80x128xf32, #tpu.memory_space<vmem>>, vector<16xf32>,
        %get3A_315 = arith.index_cast %add3A_264 : i32 to index
        %get3A_316 = arith.constant 96 : index
        %get3A_317 = tpu.vector_load %arg10[%get3A_315, %get3A_316] {strides = array<i32>} : memref<80x128xf32, #tpu.memory_space<vmem>>, vector<16xf32>,
        %mul3A_318 = vector.broadcast %squeeze3A_266 : f32 to vector<16xf32>
        %mul3A_319 = arith.mulf %get3A_317, %mul3A_318 : vector<16xf32>
        %swap3A_320 = arith.index_cast %add3A_264 : i32 to index
        %swap3A_321 = arith.constant 96 : index
        %swap3A_322 = tpu.vector_load %arg10[%swap3A_320, %swap3A_321] {strides = array<i32>} : memref<80x128xf32, #tpu.memory_space<vmem>>, vector<16xf32>,
        tpu.vector_store %arg10[%swap3A_320, %swap3A_321], %mul3A_319 {strides = array<i32>} : memref<80x128xf32, #tpu.memory_space<vmem>>, vector<16xf32>,
        %get3A_323 = arith.index_cast %add3A_264 : i32 to index
        %get3A_324 = arith.constant 112 : index
        %get3A_325 = tpu.vector_load %arg10[%get3A_323, %get3A_324] {strides = array<i32>} : memref<80x128xf32, #tpu.memory_space<vmem>>, vector<16xf32>,
        %mul3A_326 = vector.broadcast %squeeze3A_266 : f32 to vector<16xf32>
        %mul3A_327 = arith.mulf %get3A_325, %mul3A_326 : vector<16xf32>
        %swap3A_328 = arith.index_cast %add3A_264 : i32 to index
        %swap3A_329 = arith.constant 112 : index
        %swap3A_330 = tpu.vector_load %arg10[%swap3A_328, %swap3A_329] {strides = array<i32>} : memref<80x128xf32, #tpu.memory_space<vmem>>, vector<16xf32>,
        tpu.vector_store %arg10[%swap3A_328, %swap3A_329], %mul3A_327 {strides = array<i32>} : memref<80x128xf32, #tpu.memory_space<vmem>>, vector<16xf32>,
        %mul3A_331 = arith.constant 16 : i32
        %mul3A_332 = arith.muli %scan3A_42, %mul3A_331 : i32
        %add3A_333 = arith.constant 4 : i32
        %add3A_334 = arith.addi %mul3A_332, %add3A_333 : i32
        %slice3A_335 = vector.extract_strided_slice %div3A_53 {offsets = [4], sizes = [1], strides = [1]} : vector<16xf32> to vector<1xf32>
        %squeeze3A_336 = vector.extract %slice3A_335[0] : f32 from vector<1xf32>
        %get3A_337 = arith.index_cast %add3A_334 : i32 to index
        %get3A_338 = arith.constant 0 : index
        %get3A_339 = tpu.vector_load %arg10[%get3A_337, %get3A_338] {strides = array<i32>} : memref<80x128xf32, #tpu.memory_space<vmem>>, vector<16xf32>,
        %mul3A_340 = vector.broadcast %squeeze3A_336 : f32 to vector<16xf32>
        %mul3A_341 = arith.mulf %get3A_339, %mul3A_340 : vector<16xf32>
        %swap3A_342 = arith.index_cast %add3A_334 : i32 to index
        %swap3A_343 = arith.constant 0 : index
        %swap3A_344 = tpu.vector_load %arg10[%swap3A_342, %swap3A_343] {strides = array<i32>} : memref<80x128xf32, #tpu.memory_space<vmem>>, vector<16xf32>,
        tpu.vector_store %arg10[%swap3A_342, %swap3A_343], %mul3A_341 {strides = array<i32>} : memref<80x128xf32, #tpu.memory_space<vmem>>, vector<16xf32>,
        %get3A_345 = arith.index_cast %add3A_334 : i32 to index
        %get3A_346 = arith.constant 16 : index
        %get3A_347 = tpu.vector_load %arg10[%get3A_345, %get3A_346] {strides = array<i32>} : memref<80x128xf32, #tpu.memory_space<vmem>>, vector<16xf32>,
        %mul3A_348 = vector.broadcast %squeeze3A_336 : f32 to vector<16xf32>
        %mul3A_349 = arith.mulf %get3A_347, %mul3A_348 : vector<16xf32>
        %swap3A_350 = arith.index_cast %add3A_334 : i32 to index
        %swap3A_351 = arith.constant 16 : index
        %swap3A_352 = tpu.vector_load %arg10[%swap3A_350, %swap3A_351] {strides = array<i32>} : memref<80x128xf32, #tpu.memory_space<vmem>>, vector<16xf32>,
        tpu.vector_store %arg10[%swap3A_350, %swap3A_351], %mul3A_349 {strides = array<i32>} : memref<80x128xf32, #tpu.memory_space<vmem>>, vector<16xf32>,
        %get3A_353 = arith.index_cast %add3A_334 : i32 to index
        %get3A_354 = arith.constant 32 : index
        %get3A_355 = tpu.vector_load %arg10[%get3A_353, %get3A_354] {strides = array<i32>} : memref<80x128xf32, #tpu.memory_space<vmem>>, vector<16xf32>,
        %mul3A_356 = vector.broadcast %squeeze3A_336 : f32 to vector<16xf32>
        %mul3A_357 = arith.mulf %get3A_355, %mul3A_356 : vector<16xf32>
        %swap3A_358 = arith.index_cast %add3A_334 : i32 to index
        %swap3A_359 = arith.constant 32 : index
        %swap3A_360 = tpu.vector_load %arg10[%swap3A_358, %swap3A_359] {strides = array<i32>} : memref<80x128xf32, #tpu.memory_space<vmem>>, vector<16xf32>,
        tpu.vector_store %arg10[%swap3A_358, %swap3A_359], %mul3A_357 {strides = array<i32>} : memref<80x128xf32, #tpu.memory_space<vmem>>, vector<16xf32>,
        %get3A_361 = arith.index_cast %add3A_334 : i32 to index
        %get3A_362 = arith.constant 48 : index
        %get3A_363 = tpu.vector_load %arg10[%get3A_361, %get3A_362] {strides = array<i32>} : memref<80x128xf32, #tpu.memory_space<vmem>>, vector<16xf32>,
        %mul3A_364 = vector.broadcast %squeeze3A_336 : f32 to vector<16xf32>
        %mul3A_365 = arith.mulf %get3A_363, %mul3A_364 : vector<16xf32>
        %swap3A_366 = arith.index_cast %add3A_334 : i32 to index
        %swap3A_367 = arith.constant 48 : index
        %swap3A_368 = tpu.vector_load %arg10[%swap3A_366, %swap3A_367] {strides = array<i32>} : memref<80x128xf32, #tpu.memory_space<vmem>>, vector<16xf32>,
        tpu.vector_store %arg10[%swap3A_366, %swap3A_367], %mul3A_365 {strides = array<i32>} : memref<80x128xf32, #tpu.memory_space<vmem>>, vector<16xf32>,
        %get3A_369 = arith.index_cast %add3A_334 : i32 to index
        %get3A_370 = arith.constant 64 : index
        %get3A_371 = tpu.vector_load %arg10[%get3A_369, %get3A_370] {strides = array<i32>} : memref<80x128xf32, #tpu.memory_space<vmem>>, vector<16xf32>,
        %mul3A_372 = vector.broadcast %squeeze3A_336 : f32 to vector<16xf32>
        %mul3A_373 = arith.mulf %get3A_371, %mul3A_372 : vector<16xf32>
        %swap3A_374 = arith.index_cast %add3A_334 : i32 to index
        %swap3A_375 = arith.constant 64 : index
        %swap3A_376 = tpu.vector_load %arg10[%swap3A_374, %swap3A_375] {strides = array<i32>} : memref<80x128xf32, #tpu.memory_space<vmem>>, vector<16xf32>,
        tpu.vector_store %arg10[%swap3A_374, %swap3A_375], %mul3A_373 {strides = array<i32>} : memref<80x128xf32, #tpu.memory_space<vmem>>, vector<16xf32>,
        %get3A_377 = arith.index_cast %add3A_334 : i32 to index
        %get3A_378 = arith.constant 80 : index
        %get3A_379 = tpu.vector_load %arg10[%get3A_377, %get3A_378] {strides = array<i32>} : memref<80x128xf32, #tpu.memory_space<vmem>>, vector<16xf32>,
        %mul3A_380 = vector.broadcast %squeeze3A_336 : f32 to vector<16xf32>
        %mul3A_381 = arith.mulf %get3A_379, %mul3A_380 : vector<16xf32>
        %swap3A_382 = arith.index_cast %add3A_334 : i32 to index
        %swap3A_383 = arith.constant 80 : index
        %swap3A_384 = tpu.vector_load %arg10[%swap3A_382, %swap3A_383] {strides = array<i32>} : memref<80x128xf32, #tpu.memory_space<vmem>>, vector<16xf32>,
        tpu.vector_store %arg10[%swap3A_382, %swap3A_383], %mul3A_381 {strides = array<i32>} : memref<80x128xf32, #tpu.memory_space<vmem>>, vector<16xf32>,
        %get3A_385 = arith.index_cast %add3A_334 : i32 to index
        %get3A_386 = arith.constant 96 : index
        %get3A_387 = tpu.vector_load %arg10[%get3A_385, %get3A_386] {strides = array<i32>} : memref<80x128xf32, #tpu.memory_space<vmem>>, vector<16xf32>,
        %mul3A_388 = vector.broadcast %squeeze3A_336 : f32 to vector<16xf32>
        %mul3A_389 = arith.mulf %get3A_387, %mul3A_388 : vector<16xf32>
        %swap3A_390 = arith.index_cast %add3A_334 : i32 to index
        %swap3A_391 = arith.constant 96 : index
        %swap3A_392 = tpu.vector_load %arg10[%swap3A_390, %swap3A_391] {strides = array<i32>} : memref<80x128xf32, #tpu.memory_space<vmem>>, vector<16xf32>,
        tpu.vector_store %arg10[%swap3A_390, %swap3A_391], %mul3A_389 {strides = array<i32>} : memref<80x128xf32, #tpu.memory_space<vmem>>, vector<16xf32>,
        %get3A_393 = arith.index_cast %add3A_334 : i32 to index
        %get3A_394 = arith.constant 112 : index
        %get3A_395 = tpu.vector_load %arg10[%get3A_393, %get3A_394] {strides = array<i32>} : memref<80x128xf32, #tpu.memory_space<vmem>>, vector<16xf32>,
        %mul3A_396 = vector.broadcast %squeeze3A_336 : f32 to vector<16xf32>
        %mul3A_397 = arith.mulf %get3A_395, %mul3A_396 : vector<16xf32>
        %swap3A_398 = arith.index_cast %add3A_334 : i32 to index
        %swap3A_399 = arith.constant 112 : index
        %swap3A_400 = tpu.vector_load %arg10[%swap3A_398, %swap3A_399] {strides = array<i32>} : memref<80x128xf32, #tpu.memory_space<vmem>>, vector<16xf32>,
        tpu.vector_store %arg10[%swap3A_398, %swap3A_399], %mul3A_397 {strides = array<i32>} : memref<80x128xf32, #tpu.memory_space<vmem>>, vector<16xf32>,
        %mul3A_401 = arith.constant 16 : i32
        %mul3A_402 = arith.muli %scan3A_42, %mul3A_401 : i32
        %add3A_403 = arith.constant 5 : i32
        %add3A_404 = arith.addi %mul3A_402, %add3A_403 : i32
        %slice3A_405 = vector.extract_strided_slice %div3A_53 {offsets = [5], sizes = [1], strides = [1]} : vector<16xf32> to vector<1xf32>
        %squeeze3A_406 = vector.extract %slice3A_405[0] : f32 from vector<1xf32>
        %get3A_407 = arith.index_cast %add3A_404 : i32 to index
        %get3A_408 = arith.constant 0 : index
        %get3A_409 = tpu.vector_load %arg10[%get3A_407, %get3A_408] {strides = array<i32>} : memref<80x128xf32, #tpu.memory_space<vmem>>, vector<16xf32>,
        %mul3A_410 = vector.broadcast %squeeze3A_406 : f32 to vector<16xf32>
        %mul3A_411 = arith.mulf %get3A_409, %mul3A_410 : vector<16xf32>
        %swap3A_412 = arith.index_cast %add3A_404 : i32 to index
        %swap3A_413 = arith.constant 0 : index
        %swap3A_414 = tpu.vector_load %arg10[%swap3A_412, %swap3A_413] {strides = array<i32>} : memref<80x128xf32, #tpu.memory_space<vmem>>, vector<16xf32>,
        tpu.vector_store %arg10[%swap3A_412, %swap3A_413], %mul3A_411 {strides = array<i32>} : memref<80x128xf32, #tpu.memory_space<vmem>>, vector<16xf32>,
        %get3A_415 = arith.index_cast %add3A_404 : i32 to index
        %get3A_416 = arith.constant 16 : index
        %get3A_417 = tpu.vector_load %arg10[%get3A_415, %get3A_416] {strides = array<i32>} : memref<80x128xf32, #tpu.memory_space<vmem>>, vector<16xf32>,
        %mul3A_418 = vector.broadcast %squeeze3A_406 : f32 to vector<16xf32>
        %mul3A_419 = arith.mulf %get3A_417, %mul3A_418 : vector<16xf32>
        %swap3A_420 = arith.index_cast %add3A_404 : i32 to index
        %swap3A_421 = arith.constant 16 : index
        %swap3A_422 = tpu.vector_load %arg10[%swap3A_420, %swap3A_421] {strides = array<i32>} : memref<80x128xf32, #tpu.memory_space<vmem>>, vector<16xf32>,
        tpu.vector_store %arg10[%swap3A_420, %swap3A_421], %mul3A_419 {strides = array<i32>} : memref<80x128xf32, #tpu.memory_space<vmem>>, vector<16xf32>,
        %get3A_423 = arith.index_cast %add3A_404 : i32 to index
        %get3A_424 = arith.constant 32 : index
        %get3A_425 = tpu.vector_load %arg10[%get3A_423, %get3A_424] {strides = array<i32>} : memref<80x128xf32, #tpu.memory_space<vmem>>, vector<16xf32>,
        %mul3A_426 = vector.broadcast %squeeze3A_406 : f32 to vector<16xf32>
        %mul3A_427 = arith.mulf %get3A_425, %mul3A_426 : vector<16xf32>
        %swap3A_428 = arith.index_cast %add3A_404 : i32 to index
        %swap3A_429 = arith.constant 32 : index
        %swap3A_430 = tpu.vector_load %arg10[%swap3A_428, %swap3A_429] {strides = array<i32>} : memref<80x128xf32, #tpu.memory_space<vmem>>, vector<16xf32>,
        tpu.vector_store %arg10[%swap3A_428, %swap3A_429], %mul3A_427 {strides = array<i32>} : memref<80x128xf32, #tpu.memory_space<vmem>>, vector<16xf32>,
        %get3A_431 = arith.index_cast %add3A_404 : i32 to index
        %get3A_432 = arith.constant 48 : index
        %get3A_433 = tpu.vector_load %arg10[%get3A_431, %get3A_432] {strides = array<i32>} : memref<80x128xf32, #tpu.memory_space<vmem>>, vector<16xf32>,
        %mul3A_434 = vector.broadcast %squeeze3A_406 : f32 to vector<16xf32>
        %mul3A_435 = arith.mulf %get3A_433, %mul3A_434 : vector<16xf32>
        %swap3A_436 = arith.index_cast %add3A_404 : i32 to index
        %swap3A_437 = arith.constant 48 : index
        %swap3A_438 = tpu.vector_load %arg10[%swap3A_436, %swap3A_437] {strides = array<i32>} : memref<80x128xf32, #tpu.memory_space<vmem>>, vector<16xf32>,
        tpu.vector_store %arg10[%swap3A_436, %swap3A_437], %mul3A_435 {strides = array<i32>} : memref<80x128xf32, #tpu.memory_space<vmem>>, vector<16xf32>,
        %get3A_439 = arith.index_cast %add3A_404 : i32 to index
        %get3A_440 = arith.constant 64 : index
        %get3A_441 = tpu.vector_load %arg10[%get3A_439, %get3A_440] {strides = array<i32>} : memref<80x128xf32, #tpu.memory_space<vmem>>, vector<16xf32>,
        %mul3A_442 = vector.broadcast %squeeze3A_406 : f32 to vector<16xf32>
        %mul3A_443 = arith.mulf %get3A_441, %mul3A_442 : vector<16xf32>
        %swap3A_444 = arith.index_cast %add3A_404 : i32 to index
        %swap3A_445 = arith.constant 64 : index
        %swap3A_446 = tpu.vector_load %arg10[%swap3A_444, %swap3A_445] {strides = array<i32>} : memref<80x128xf32, #tpu.memory_space<vmem>>, vector<16xf32>,
        tpu.vector_store %arg10[%swap3A_444, %swap3A_445], %mul3A_443 {strides = array<i32>} : memref<80x128xf32, #tpu.memory_space<vmem>>, vector<16xf32>,
        %get3A_447 = arith.index_cast %add3A_404 : i32 to index
        %get3A_448 = arith.constant 80 : index
        %get3A_449 = tpu.vector_load %arg10[%get3A_447, %get3A_448] {strides = array<i32>} : memref<80x128xf32, #tpu.memory_space<vmem>>, vector<16xf32>,
        %mul3A_450 = vector.broadcast %squeeze3A_406 : f32 to vector<16xf32>
        %mul3A_451 = arith.mulf %get3A_449, %mul3A_450 : vector<16xf32>
        %swap3A_452 = arith.index_cast %add3A_404 : i32 to index
        %swap3A_453 = arith.constant 80 : index
        %swap3A_454 = tpu.vector_load %arg10[%swap3A_452, %swap3A_453] {strides = array<i32>} : memref<80x128xf32, #tpu.memory_space<vmem>>, vector<16xf32>,
        tpu.vector_store %arg10[%swap3A_452, %swap3A_453], %mul3A_451 {strides = array<i32>} : memref<80x128xf32, #tpu.memory_space<vmem>>, vector<16xf32>,
        %get3A_455 = arith.index_cast %add3A_404 : i32 to index
        %get3A_456 = arith.constant 96 : index
        %get3A_457 = tpu.vector_load %arg10[%get3A_455, %get3A_456] {strides = array<i32>} : memref<80x128xf32, #tpu.memory_space<vmem>>, vector<16xf32>,
        %mul3A_458 = vector.broadcast %squeeze3A_406 : f32 to vector<16xf32>
        %mul3A_459 = arith.mulf %get3A_457, %mul3A_458 : vector<16xf32>
        %swap3A_460 = arith.index_cast %add3A_404 : i32 to index
        %swap3A_461 = arith.constant 96 : index
        %swap3A_462 = tpu.vector_load %arg10[%swap3A_460, %swap3A_461] {strides = array<i32>} : memref<80x128xf32, #tpu.memory_space<vmem>>, vector<16xf32>,
        tpu.vector_store %arg10[%swap3A_460, %swap3A_461], %mul3A_459 {strides = array<i32>} : memref<80x128xf32, #tpu.memory_space<vmem>>, vector<16xf32>,
        %get3A_463 = arith.index_cast %add3A_404 : i32 to index
        %get3A_464 = arith.constant 112 : index
        %get3A_465 = tpu.vector_load %arg10[%get3A_463, %get3A_464] {strides = array<i32>} : memref<80x128xf32, #tpu.memory_space<vmem>>, vector<16xf32>,
        %mul3A_466 = vector.broadcast %squeeze3A_406 : f32 to vector<16xf32>
        %mul3A_467 = arith.mulf %get3A_465, %mul3A_466 : vector<16xf32>
        %swap3A_468 = arith.index_cast %add3A_404 : i32 to index
        %swap3A_469 = arith.constant 112 : index
        %swap3A_470 = tpu.vector_load %arg10[%swap3A_468, %swap3A_469] {strides = array<i32>} : memref<80x128xf32, #tpu.memory_space<vmem>>, vector<16xf32>,
        tpu.vector_store %arg10[%swap3A_468, %swap3A_469], %mul3A_467 {strides = array<i32>} : memref<80x128xf32, #tpu.memory_space<vmem>>, vector<16xf32>,
        %mul3A_471 = arith.constant 16 : i32
        %mul3A_472 = arith.muli %scan3A_42, %mul3A_471 : i32
        %add3A_473 = arith.constant 6 : i32
        %add3A_474 = arith.addi %mul3A_472, %add3A_473 : i32
        %slice3A_475 = vector.extract_strided_slice %div3A_53 {offsets = [6], sizes = [1], strides = [1]} : vector<16xf32> to vector<1xf32>
        %squeeze3A_476 = vector.extract %slice3A_475[0] : f32 from vector<1xf32>
        %get3A_477 = arith.index_cast %add3A_474 : i32 to index
        %get3A_478 = arith.constant 0 : index
        %get3A_479 = tpu.vector_load %arg10[%get3A_477, %get3A_478] {strides = array<i32>} : memref<80x128xf32, #tpu.memory_space<vmem>>, vector<16xf32>,
        %mul3A_480 = vector.broadcast %squeeze3A_476 : f32 to vector<16xf32>
        %mul3A_481 = arith.mulf %get3A_479, %mul3A_480 : vector<16xf32>
        %swap3A_482 = arith.index_cast %add3A_474 : i32 to index
        %swap3A_483 = arith.constant 0 : index
        %swap3A_484 = tpu.vector_load %arg10[%swap3A_482, %swap3A_483] {strides = array<i32>} : memref<80x128xf32, #tpu.memory_space<vmem>>, vector<16xf32>,
        tpu.vector_store %arg10[%swap3A_482, %swap3A_483], %mul3A_481 {strides = array<i32>} : memref<80x128xf32, #tpu.memory_space<vmem>>, vector<16xf32>,
        %get3A_485 = arith.index_cast %add3A_474 : i32 to index
        %get3A_486 = arith.constant 16 : index
        %get3A_487 = tpu.vector_load %arg10[%get3A_485, %get3A_486] {strides = array<i32>} : memref<80x128xf32, #tpu.memory_space<vmem>>, vector<16xf32>,
        %mul3A_488 = vector.broadcast %squeeze3A_476 : f32 to vector<16xf32>
        %mul3A_489 = arith.mulf %get3A_487, %mul3A_488 : vector<16xf32>
        %swap3A_490 = arith.index_cast %add3A_474 : i32 to index
        %swap3A_491 = arith.constant 16 : index
        %swap3A_492 = tpu.vector_load %arg10[%swap3A_490, %swap3A_491] {strides = array<i32>} : memref<80x128xf32, #tpu.memory_space<vmem>>, vector<16xf32>,
        tpu.vector_store %arg10[%swap3A_490, %swap3A_491], %mul3A_489 {strides = array<i32>} : memref<80x128xf32, #tpu.memory_space<vmem>>, vector<16xf32>,
        %get3A_493 = arith.index_cast %add3A_474 : i32 to index
        %get3A_494 = arith.constant 32 : index
        %get3A_495 = tpu.vector_load %arg10[%get3A_493, %get3A_494] {strides = array<i32>} : memref<80x128xf32, #tpu.memory_space<vmem>>, vector<16xf32>,
        %mul3A_496 = vector.broadcast %squeeze3A_476 : f32 to vector<16xf32>
        %mul3A_497 = arith.mulf %get3A_495, %mul3A_496 : vector<16xf32>
        %swap3A_498 = arith.index_cast %add3A_474 : i32 to index
        %swap3A_499 = arith.constant 32 : index
        %swap3A_500 = tpu.vector_load %arg10[%swap3A_498, %swap3A_499] {strides = array<i32>} : memref<80x128xf32, #tpu.memory_space<vmem>>, vector<16xf32>,
        tpu.vector_store %arg10[%swap3A_498, %swap3A_499], %mul3A_497 {strides = array<i32>} : memref<80x128xf32, #tpu.memory_space<vmem>>, vector<16xf32>,
        %get3A_501 = arith.index_cast %add3A_474 : i32 to index
        %get3A_502 = arith.constant 48 : index
        %get3A_503 = tpu.vector_load %arg10[%get3A_501, %get3A_502] {strides = array<i32>} : memref<80x128xf32, #tpu.memory_space<vmem>>, vector<16xf32>,
        %mul3A_504 = vector.broadcast %squeeze3A_476 : f32 to vector<16xf32>
        %mul3A_505 = arith.mulf %get3A_503, %mul3A_504 : vector<16xf32>
        %swap3A_506 = arith.index_cast %add3A_474 : i32 to index
        %swap3A_507 = arith.constant 48 : index
        %swap3A_508 = tpu.vector_load %arg10[%swap3A_506, %swap3A_507] {strides = array<i32>} : memref<80x128xf32, #tpu.memory_space<vmem>>, vector<16xf32>,
        tpu.vector_store %arg10[%swap3A_506, %swap3A_507], %mul3A_505 {strides = array<i32>} : memref<80x128xf32, #tpu.memory_space<vmem>>, vector<16xf32>,
        %get3A_509 = arith.index_cast %add3A_474 : i32 to index
        %get3A_510 = arith.constant 64 : index
        %get3A_511 = tpu.vector_load %arg10[%get3A_509, %get3A_510] {strides = array<i32>} : memref<80x128xf32, #tpu.memory_space<vmem>>, vector<16xf32>,
        %mul3A_512 = vector.broadcast %squeeze3A_476 : f32 to vector<16xf32>
        %mul3A_513 = arith.mulf %get3A_511, %mul3A_512 : vector<16xf32>
        %swap3A_514 = arith.index_cast %add3A_474 : i32 to index
        %swap3A_515 = arith.constant 64 : index
        %swap3A_516 = tpu.vector_load %arg10[%swap3A_514, %swap3A_515] {strides = array<i32>} : memref<80x128xf32, #tpu.memory_space<vmem>>, vector<16xf32>,
        tpu.vector_store %arg10[%swap3A_514, %swap3A_515], %mul3A_513 {strides = array<i32>} : memref<80x128xf32, #tpu.memory_space<vmem>>, vector<16xf32>,
        %get3A_517 = arith.index_cast %add3A_474 : i32 to index
        %get3A_518 = arith.constant 80 : index
        %get3A_519 = tpu.vector_load %arg10[%get3A_517, %get3A_518] {strides = array<i32>} : memref<80x128xf32, #tpu.memory_space<vmem>>, vector<16xf32>,
        %mul3A_520 = vector.broadcast %squeeze3A_476 : f32 to vector<16xf32>
        %mul3A_521 = arith.mulf %get3A_519, %mul3A_520 : vector<16xf32>
        %swap3A_522 = arith.index_cast %add3A_474 : i32 to index
        %swap3A_523 = arith.constant 80 : index
        %swap3A_524 = tpu.vector_load %arg10[%swap3A_522, %swap3A_523] {strides = array<i32>} : memref<80x128xf32, #tpu.memory_space<vmem>>, vector<16xf32>,
        tpu.vector_store %arg10[%swap3A_522, %swap3A_523], %mul3A_521 {strides = array<i32>} : memref<80x128xf32, #tpu.memory_space<vmem>>, vector<16xf32>,
        %get3A_525 = arith.index_cast %add3A_474 : i32 to index
        %get3A_526 = arith.constant 96 : index
        %get3A_527 = tpu.vector_load %arg10[%get3A_525, %get3A_526] {strides = array<i32>} : memref<80x128xf32, #tpu.memory_space<vmem>>, vector<16xf32>,
        %mul3A_528 = vector.broadcast %squeeze3A_476 : f32 to vector<16xf32>
        %mul3A_529 = arith.mulf %get3A_527, %mul3A_528 : vector<16xf32>
        %swap3A_530 = arith.index_cast %add3A_474 : i32 to index
        %swap3A_531 = arith.constant 96 : index
        %swap3A_532 = tpu.vector_load %arg10[%swap3A_530, %swap3A_531] {strides = array<i32>} : memref<80x128xf32, #tpu.memory_space<vmem>>, vector<16xf32>,
        tpu.vector_store %arg10[%swap3A_530, %swap3A_531], %mul3A_529 {strides = array<i32>} : memref<80x128xf32, #tpu.memory_space<vmem>>, vector<16xf32>,
        %get3A_533 = arith.index_cast %add3A_474 : i32 to index
        %get3A_534 = arith.constant 112 : index
        %get3A_535 = tpu.vector_load %arg10[%get3A_533, %get3A_534] {strides = array<i32>} : memref<80x128xf32, #tpu.memory_space<vmem>>, vector<16xf32>,
        %mul3A_536 = vector.broadcast %squeeze3A_476 : f32 to vector<16xf32>
        %mul3A_537 = arith.mulf %get3A_535, %mul3A_536 : vector<16xf32>
        %swap3A_538 = arith.index_cast %add3A_474 : i32 to index
        %swap3A_539 = arith.constant 112 : index
        %swap3A_540 = tpu.vector_load %arg10[%swap3A_538, %swap3A_539] {strides = array<i32>} : memref<80x128xf32, #tpu.memory_space<vmem>>, vector<16xf32>,
        tpu.vector_store %arg10[%swap3A_538, %swap3A_539], %mul3A_537 {strides = array<i32>} : memref<80x128xf32, #tpu.memory_space<vmem>>, vector<16xf32>,
        %mul3A_541 = arith.constant 16 : i32
        %mul3A_542 = arith.muli %scan3A_42, %mul3A_541 : i32
        %add3A_543 = arith.constant 7 : i32
        %add3A_544 = arith.addi %mul3A_542, %add3A_543 : i32
        %slice3A_545 = vector.extract_strided_slice %div3A_53 {offsets = [7], sizes = [1], strides = [1]} : vector<16xf32> to vector<1xf32>
        %squeeze3A_546 = vector.extract %slice3A_545[0] : f32 from vector<1xf32>
        %get3A_547 = arith.index_cast %add3A_544 : i32 to index
        %get3A_548 = arith.constant 0 : index
        %get3A_549 = tpu.vector_load %arg10[%get3A_547, %get3A_548] {strides = array<i32>} : memref<80x128xf32, #tpu.memory_space<vmem>>, vector<16xf32>,
        %mul3A_550 = vector.broadcast %squeeze3A_546 : f32 to vector<16xf32>
        %mul3A_551 = arith.mulf %get3A_549, %mul3A_550 : vector<16xf32>
        %swap3A_552 = arith.index_cast %add3A_544 : i32 to index
        %swap3A_553 = arith.constant 0 : index
        %swap3A_554 = tpu.vector_load %arg10[%swap3A_552, %swap3A_553] {strides = array<i32>} : memref<80x128xf32, #tpu.memory_space<vmem>>, vector<16xf32>,
        tpu.vector_store %arg10[%swap3A_552, %swap3A_553], %mul3A_551 {strides = array<i32>} : memref<80x128xf32, #tpu.memory_space<vmem>>, vector<16xf32>,
        %get3A_555 = arith.index_cast %add3A_544 : i32 to index
        %get3A_556 = arith.constant 16 : index
        %get3A_557 = tpu.vector_load %arg10[%get3A_555, %get3A_556] {strides = array<i32>} : memref<80x128xf32, #tpu.memory_space<vmem>>, vector<16xf32>,
        %mul3A_558 = vector.broadcast %squeeze3A_546 : f32 to vector<16xf32>
        %mul3A_559 = arith.mulf %get3A_557, %mul3A_558 : vector<16xf32>
        %swap3A_560 = arith.index_cast %add3A_544 : i32 to index
        %swap3A_561 = arith.constant 16 : index
        %swap3A_562 = tpu.vector_load %arg10[%swap3A_560, %swap3A_561] {strides = array<i32>} : memref<80x128xf32, #tpu.memory_space<vmem>>, vector<16xf32>,
        tpu.vector_store %arg10[%swap3A_560, %swap3A_561], %mul3A_559 {strides = array<i32>} : memref<80x128xf32, #tpu.memory_space<vmem>>, vector<16xf32>,
        %get3A_563 = arith.index_cast %add3A_544 : i32 to index
        %get3A_564 = arith.constant 32 : index
        %get3A_565 = tpu.vector_load %arg10[%get3A_563, %get3A_564] {strides = array<i32>} : memref<80x128xf32, #tpu.memory_space<vmem>>, vector<16xf32>,
        %mul3A_566 = vector.broadcast %squeeze3A_546 : f32 to vector<16xf32>
        %mul3A_567 = arith.mulf %get3A_565, %mul3A_566 : vector<16xf32>
        %swap3A_568 = arith.index_cast %add3A_544 : i32 to index
        %swap3A_569 = arith.constant 32 : index
        %swap3A_570 = tpu.vector_load %arg10[%swap3A_568, %swap3A_569] {strides = array<i32>} : memref<80x128xf32, #tpu.memory_space<vmem>>, vector<16xf32>,
        tpu.vector_store %arg10[%swap3A_568, %swap3A_569], %mul3A_567 {strides = array<i32>} : memref<80x128xf32, #tpu.memory_space<vmem>>, vector<16xf32>,
        %get3A_571 = arith.index_cast %add3A_544 : i32 to index
        %get3A_572 = arith.constant 48 : index
        %get3A_573 = tpu.vector_load %arg10[%get3A_571, %get3A_572] {strides = array<i32>} : memref<80x128xf32, #tpu.memory_space<vmem>>, vector<16xf32>,
        %mul3A_574 = vector.broadcast %squeeze3A_546 : f32 to vector<16xf32>
        %mul3A_575 = arith.mulf %get3A_573, %mul3A_574 : vector<16xf32>
        %swap3A_576 = arith.index_cast %add3A_544 : i32 to index
        %swap3A_577 = arith.constant 48 : index
        %swap3A_578 = tpu.vector_load %arg10[%swap3A_576, %swap3A_577] {strides = array<i32>} : memref<80x128xf32, #tpu.memory_space<vmem>>, vector<16xf32>,
        tpu.vector_store %arg10[%swap3A_576, %swap3A_577], %mul3A_575 {strides = array<i32>} : memref<80x128xf32, #tpu.memory_space<vmem>>, vector<16xf32>,
        %get3A_579 = arith.index_cast %add3A_544 : i32 to index
        %get3A_580 = arith.constant 64 : index
        %get3A_581 = tpu.vector_load %arg10[%get3A_579, %get3A_580] {strides = array<i32>} : memref<80x128xf32, #tpu.memory_space<vmem>>, vector<16xf32>,
        %mul3A_582 = vector.broadcast %squeeze3A_546 : f32 to vector<16xf32>
        %mul3A_583 = arith.mulf %get3A_581, %mul3A_582 : vector<16xf32>
        %swap3A_584 = arith.index_cast %add3A_544 : i32 to index
        %swap3A_585 = arith.constant 64 : index
        %swap3A_586 = tpu.vector_load %arg10[%swap3A_584, %swap3A_585] {strides = array<i32>} : memref<80x128xf32, #tpu.memory_space<vmem>>, vector<16xf32>,
        tpu.vector_store %arg10[%swap3A_584, %swap3A_585], %mul3A_583 {strides = array<i32>} : memref<80x128xf32, #tpu.memory_space<vmem>>, vector<16xf32>,
        %get3A_587 = arith.index_cast %add3A_544 : i32 to index
        %get3A_588 = arith.constant 80 : index
        %get3A_589 = tpu.vector_load %arg10[%get3A_587, %get3A_588] {strides = array<i32>} : memref<80x128xf32, #tpu.memory_space<vmem>>, vector<16xf32>,
        %mul3A_590 = vector.broadcast %squeeze3A_546 : f32 to vector<16xf32>
        %mul3A_591 = arith.mulf %get3A_589, %mul3A_590 : vector<16xf32>
        %swap3A_592 = arith.index_cast %add3A_544 : i32 to index
        %swap3A_593 = arith.constant 80 : index
        %swap3A_594 = tpu.vector_load %arg10[%swap3A_592, %swap3A_593] {strides = array<i32>} : memref<80x128xf32, #tpu.memory_space<vmem>>, vector<16xf32>,
        tpu.vector_store %arg10[%swap3A_592, %swap3A_593], %mul3A_591 {strides = array<i32>} : memref<80x128xf32, #tpu.memory_space<vmem>>, vector<16xf32>,
        %get3A_595 = arith.index_cast %add3A_544 : i32 to index
        %get3A_596 = arith.constant 96 : index
        %get3A_597 = tpu.vector_load %arg10[%get3A_595, %get3A_596] {strides = array<i32>} : memref<80x128xf32, #tpu.memory_space<vmem>>, vector<16xf32>,
        %mul3A_598 = vector.broadcast %squeeze3A_546 : f32 to vector<16xf32>
        %mul3A_599 = arith.mulf %get3A_597, %mul3A_598 : vector<16xf32>
        %swap3A_600 = arith.index_cast %add3A_544 : i32 to index
        %swap3A_601 = arith.constant 96 : index
        %swap3A_602 = tpu.vector_load %arg10[%swap3A_600, %swap3A_601] {strides = array<i32>} : memref<80x128xf32, #tpu.memory_space<vmem>>, vector<16xf32>,
        tpu.vector_store %arg10[%swap3A_600, %swap3A_601], %mul3A_599 {strides = array<i32>} : memref<80x128xf32, #tpu.memory_space<vmem>>, vector<16xf32>,
        %get3A_603 = arith.index_cast %add3A_544 : i32 to index
        %get3A_604 = arith.constant 112 : index
        %get3A_605 = tpu.vector_load %arg10[%get3A_603, %get3A_604] {strides = array<i32>} : memref<80x128xf32, #tpu.memory_space<vmem>>, vector<16xf32>,
        %mul3A_606 = vector.broadcast %squeeze3A_546 : f32 to vector<16xf32>
        %mul3A_607 = arith.mulf %get3A_605, %mul3A_606 : vector<16xf32>
        %swap3A_608 = arith.index_cast %add3A_544 : i32 to index
        %swap3A_609 = arith.constant 112 : index
        %swap3A_610 = tpu.vector_load %arg10[%swap3A_608, %swap3A_609] {strides = array<i32>} : memref<80x128xf32, #tpu.memory_space<vmem>>, vector<16xf32>,
        tpu.vector_store %arg10[%swap3A_608, %swap3A_609], %mul3A_607 {strides = array<i32>} : memref<80x128xf32, #tpu.memory_space<vmem>>, vector<16xf32>,
        %mul3A_611 = arith.constant 16 : i32
        %mul3A_612 = arith.muli %scan3A_42, %mul3A_611 : i32
        %add3A_613 = arith.constant 8 : i32
        %add3A_614 = arith.addi %mul3A_612, %add3A_613 : i32
        %slice3A_615 = vector.extract_strided_slice %div3A_53 {offsets = [8], sizes = [1], strides = [1]} : vector<16xf32> to vector<1xf32>
        %squeeze3A_616 = vector.extract %slice3A_615[0] : f32 from vector<1xf32>
        %get3A_617 = arith.index_cast %add3A_614 : i32 to index
        %get3A_618 = arith.constant 0 : index
        %get3A_619 = tpu.vector_load %arg10[%get3A_617, %get3A_618] {strides = array<i32>} : memref<80x128xf32, #tpu.memory_space<vmem>>, vector<16xf32>,
        %mul3A_620 = vector.broadcast %squeeze3A_616 : f32 to vector<16xf32>
        %mul3A_621 = arith.mulf %get3A_619, %mul3A_620 : vector<16xf32>
        %swap3A_622 = arith.index_cast %add3A_614 : i32 to index
        %swap3A_623 = arith.constant 0 : index
        %swap3A_624 = tpu.vector_load %arg10[%swap3A_622, %swap3A_623] {strides = array<i32>} : memref<80x128xf32, #tpu.memory_space<vmem>>, vector<16xf32>,
        tpu.vector_store %arg10[%swap3A_622, %swap3A_623], %mul3A_621 {strides = array<i32>} : memref<80x128xf32, #tpu.memory_space<vmem>>, vector<16xf32>,
        %get3A_625 = arith.index_cast %add3A_614 : i32 to index
        %get3A_626 = arith.constant 16 : index
        %get3A_627 = tpu.vector_load %arg10[%get3A_625, %get3A_626] {strides = array<i32>} : memref<80x128xf32, #tpu.memory_space<vmem>>, vector<16xf32>,
        %mul3A_628 = vector.broadcast %squeeze3A_616 : f32 to vector<16xf32>
        %mul3A_629 = arith.mulf %get3A_627, %mul3A_628 : vector<16xf32>
        %swap3A_630 = arith.index_cast %add3A_614 : i32 to index
        %swap3A_631 = arith.constant 16 : index
        %swap3A_632 = tpu.vector_load %arg10[%swap3A_630, %swap3A_631] {strides = array<i32>} : memref<80x128xf32, #tpu.memory_space<vmem>>, vector<16xf32>,
        tpu.vector_store %arg10[%swap3A_630, %swap3A_631], %mul3A_629 {strides = array<i32>} : memref<80x128xf32, #tpu.memory_space<vmem>>, vector<16xf32>,
        %get3A_633 = arith.index_cast %add3A_614 : i32 to index
        %get3A_634 = arith.constant 32 : index
        %get3A_635 = tpu.vector_load %arg10[%get3A_633, %get3A_634] {strides = array<i32>} : memref<80x128xf32, #tpu.memory_space<vmem>>, vector<16xf32>,
        %mul3A_636 = vector.broadcast %squeeze3A_616 : f32 to vector<16xf32>
        %mul3A_637 = arith.mulf %get3A_635, %mul3A_636 : vector<16xf32>
        %swap3A_638 = arith.index_cast %add3A_614 : i32 to index
        %swap3A_639 = arith.constant 32 : index
        %swap3A_640 = tpu.vector_load %arg10[%swap3A_638, %swap3A_639] {strides = array<i32>} : memref<80x128xf32, #tpu.memory_space<vmem>>, vector<16xf32>,
        tpu.vector_store %arg10[%swap3A_638, %swap3A_639], %mul3A_637 {strides = array<i32>} : memref<80x128xf32, #tpu.memory_space<vmem>>, vector<16xf32>,
        %get3A_641 = arith.index_cast %add3A_614 : i32 to index
        %get3A_642 = arith.constant 48 : index
        %get3A_643 = tpu.vector_load %arg10[%get3A_641, %get3A_642] {strides = array<i32>} : memref<80x128xf32, #tpu.memory_space<vmem>>, vector<16xf32>,
        %mul3A_644 = vector.broadcast %squeeze3A_616 : f32 to vector<16xf32>
        %mul3A_645 = arith.mulf %get3A_643, %mul3A_644 : vector<16xf32>
        %swap3A_646 = arith.index_cast %add3A_614 : i32 to index
        %swap3A_647 = arith.constant 48 : index
        %swap3A_648 = tpu.vector_load %arg10[%swap3A_646, %swap3A_647] {strides = array<i32>} : memref<80x128xf32, #tpu.memory_space<vmem>>, vector<16xf32>,
        tpu.vector_store %arg10[%swap3A_646, %swap3A_647], %mul3A_645 {strides = array<i32>} : memref<80x128xf32, #tpu.memory_space<vmem>>, vector<16xf32>,
        %get3A_649 = arith.index_cast %add3A_614 : i32 to index
        %get3A_650 = arith.constant 64 : index
        %get3A_651 = tpu.vector_load %arg10[%get3A_649, %get3A_650] {strides = array<i32>} : memref<80x128xf32, #tpu.memory_space<vmem>>, vector<16xf32>,
        %mul3A_652 = vector.broadcast %squeeze3A_616 : f32 to vector<16xf32>
        %mul3A_653 = arith.mulf %get3A_651, %mul3A_652 : vector<16xf32>
        %swap3A_654 = arith.index_cast %add3A_614 : i32 to index
        %swap3A_655 = arith.constant 64 : index
        %swap3A_656 = tpu.vector_load %arg10[%swap3A_654, %swap3A_655] {strides = array<i32>} : memref<80x128xf32, #tpu.memory_space<vmem>>, vector<16xf32>,
        tpu.vector_store %arg10[%swap3A_654, %swap3A_655], %mul3A_653 {strides = array<i32>} : memref<80x128xf32, #tpu.memory_space<vmem>>, vector<16xf32>,
        %get3A_657 = arith.index_cast %add3A_614 : i32 to index
        %get3A_658 = arith.constant 80 : index
        %get3A_659 = tpu.vector_load %arg10[%get3A_657, %get3A_658] {strides = array<i32>} : memref<80x128xf32, #tpu.memory_space<vmem>>, vector<16xf32>,
        %mul3A_660 = vector.broadcast %squeeze3A_616 : f32 to vector<16xf32>
        %mul3A_661 = arith.mulf %get3A_659, %mul3A_660 : vector<16xf32>
        %swap3A_662 = arith.index_cast %add3A_614 : i32 to index
        %swap3A_663 = arith.constant 80 : index
        %swap3A_664 = tpu.vector_load %arg10[%swap3A_662, %swap3A_663] {strides = array<i32>} : memref<80x128xf32, #tpu.memory_space<vmem>>, vector<16xf32>,
        tpu.vector_store %arg10[%swap3A_662, %swap3A_663], %mul3A_661 {strides = array<i32>} : memref<80x128xf32, #tpu.memory_space<vmem>>, vector<16xf32>,
        %get3A_665 = arith.index_cast %add3A_614 : i32 to index
        %get3A_666 = arith.constant 96 : index
        %get3A_667 = tpu.vector_load %arg10[%get3A_665, %get3A_666] {strides = array<i32>} : memref<80x128xf32, #tpu.memory_space<vmem>>, vector<16xf32>,
        %mul3A_668 = vector.broadcast %squeeze3A_616 : f32 to vector<16xf32>
        %mul3A_669 = arith.mulf %get3A_667, %mul3A_668 : vector<16xf32>
        %swap3A_670 = arith.index_cast %add3A_614 : i32 to index
        %swap3A_671 = arith.constant 96 : index
        %swap3A_672 = tpu.vector_load %arg10[%swap3A_670, %swap3A_671] {strides = array<i32>} : memref<80x128xf32, #tpu.memory_space<vmem>>, vector<16xf32>,
        tpu.vector_store %arg10[%swap3A_670, %swap3A_671], %mul3A_669 {strides = array<i32>} : memref<80x128xf32, #tpu.memory_space<vmem>>, vector<16xf32>,
        %get3A_673 = arith.index_cast %add3A_614 : i32 to index
        %get3A_674 = arith.constant 112 : index
        %get3A_675 = tpu.vector_load %arg10[%get3A_673, %get3A_674] {strides = array<i32>} : memref<80x128xf32, #tpu.memory_space<vmem>>, vector<16xf32>,
        %mul3A_676 = vector.broadcast %squeeze3A_616 : f32 to vector<16xf32>
        %mul3A_677 = arith.mulf %get3A_675, %mul3A_676 : vector<16xf32>
        %swap3A_678 = arith.index_cast %add3A_614 : i32 to index
        %swap3A_679 = arith.constant 112 : index
        %swap3A_680 = tpu.vector_load %arg10[%swap3A_678, %swap3A_679] {strides = array<i32>} : memref<80x128xf32, #tpu.memory_space<vmem>>, vector<16xf32>,
        tpu.vector_store %arg10[%swap3A_678, %swap3A_679], %mul3A_677 {strides = array<i32>} : memref<80x128xf32, #tpu.memory_space<vmem>>, vector<16xf32>,
        %mul3A_681 = arith.constant 16 : i32
        %mul3A_682 = arith.muli %scan3A_42, %mul3A_681 : i32
        %add3A_683 = arith.constant 9 : i32
        %add3A_684 = arith.addi %mul3A_682, %add3A_683 : i32
        %slice3A_685 = vector.extract_strided_slice %div3A_53 {offsets = [9], sizes = [1], strides = [1]} : vector<16xf32> to vector<1xf32>
        %squeeze3A_686 = vector.extract %slice3A_685[0] : f32 from vector<1xf32>
        %get3A_687 = arith.index_cast %add3A_684 : i32 to index
        %get3A_688 = arith.constant 0 : index
        %get3A_689 = tpu.vector_load %arg10[%get3A_687, %get3A_688] {strides = array<i32>} : memref<80x128xf32, #tpu.memory_space<vmem>>, vector<16xf32>,
        %mul3A_690 = vector.broadcast %squeeze3A_686 : f32 to vector<16xf32>
        %mul3A_691 = arith.mulf %get3A_689, %mul3A_690 : vector<16xf32>
        %swap3A_692 = arith.index_cast %add3A_684 : i32 to index
        %swap3A_693 = arith.constant 0 : index
        %swap3A_694 = tpu.vector_load %arg10[%swap3A_692, %swap3A_693] {strides = array<i32>} : memref<80x128xf32, #tpu.memory_space<vmem>>, vector<16xf32>,
        tpu.vector_store %arg10[%swap3A_692, %swap3A_693], %mul3A_691 {strides = array<i32>} : memref<80x128xf32, #tpu.memory_space<vmem>>, vector<16xf32>,
        %get3A_695 = arith.index_cast %add3A_684 : i32 to index
        %get3A_696 = arith.constant 16 : index
        %get3A_697 = tpu.vector_load %arg10[%get3A_695, %get3A_696] {strides = array<i32>} : memref<80x128xf32, #tpu.memory_space<vmem>>, vector<16xf32>,
        %mul3A_698 = vector.broadcast %squeeze3A_686 : f32 to vector<16xf32>
        %mul3A_699 = arith.mulf %get3A_697, %mul3A_698 : vector<16xf32>
        %swap3A_700 = arith.index_cast %add3A_684 : i32 to index
        %swap3A_701 = arith.constant 16 : index
        %swap3A_702 = tpu.vector_load %arg10[%swap3A_700, %swap3A_701] {strides = array<i32>} : memref<80x128xf32, #tpu.memory_space<vmem>>, vector<16xf32>,
        tpu.vector_store %arg10[%swap3A_700, %swap3A_701], %mul3A_699 {strides = array<i32>} : memref<80x128xf32, #tpu.memory_space<vmem>>, vector<16xf32>,
        %get3A_703 = arith.index_cast %add3A_684 : i32 to index
        %get3A_704 = arith.constant 32 : index
        %get3A_705 = tpu.vector_load %arg10[%get3A_703, %get3A_704] {strides = array<i32>} : memref<80x128xf32, #tpu.memory_space<vmem>>, vector<16xf32>,
        %mul3A_706 = vector.broadcast %squeeze3A_686 : f32 to vector<16xf32>
        %mul3A_707 = arith.mulf %get3A_705, %mul3A_706 : vector<16xf32>
        %swap3A_708 = arith.index_cast %add3A_684 : i32 to index
        %swap3A_709 = arith.constant 32 : index
        %swap3A_710 = tpu.vector_load %arg10[%swap3A_708, %swap3A_709] {strides = array<i32>} : memref<80x128xf32, #tpu.memory_space<vmem>>, vector<16xf32>,
        tpu.vector_store %arg10[%swap3A_708, %swap3A_709], %mul3A_707 {strides = array<i32>} : memref<80x128xf32, #tpu.memory_space<vmem>>, vector<16xf32>,
        %get3A_711 = arith.index_cast %add3A_684 : i32 to index
        %get3A_712 = arith.constant 48 : index
        %get3A_713 = tpu.vector_load %arg10[%get3A_711, %get3A_712] {strides = array<i32>} : memref<80x128xf32, #tpu.memory_space<vmem>>, vector<16xf32>,
        %mul3A_714 = vector.broadcast %squeeze3A_686 : f32 to vector<16xf32>
        %mul3A_715 = arith.mulf %get3A_713, %mul3A_714 : vector<16xf32>
        %swap3A_716 = arith.index_cast %add3A_684 : i32 to index
        %swap3A_717 = arith.constant 48 : index
        %swap3A_718 = tpu.vector_load %arg10[%swap3A_716, %swap3A_717] {strides = array<i32>} : memref<80x128xf32, #tpu.memory_space<vmem>>, vector<16xf32>,
        tpu.vector_store %arg10[%swap3A_716, %swap3A_717], %mul3A_715 {strides = array<i32>} : memref<80x128xf32, #tpu.memory_space<vmem>>, vector<16xf32>,
        %get3A_719 = arith.index_cast %add3A_684 : i32 to index
        %get3A_720 = arith.constant 64 : index
        %get3A_721 = tpu.vector_load %arg10[%get3A_719, %get3A_720] {strides = array<i32>} : memref<80x128xf32, #tpu.memory_space<vmem>>, vector<16xf32>,
        %mul3A_722 = vector.broadcast %squeeze3A_686 : f32 to vector<16xf32>
        %mul3A_723 = arith.mulf %get3A_721, %mul3A_722 : vector<16xf32>
        %swap3A_724 = arith.index_cast %add3A_684 : i32 to index
        %swap3A_725 = arith.constant 64 : index
        %swap3A_726 = tpu.vector_load %arg10[%swap3A_724, %swap3A_725] {strides = array<i32>} : memref<80x128xf32, #tpu.memory_space<vmem>>, vector<16xf32>,
        tpu.vector_store %arg10[%swap3A_724, %swap3A_725], %mul3A_723 {strides = array<i32>} : memref<80x128xf32, #tpu.memory_space<vmem>>, vector<16xf32>,
        %get3A_727 = arith.index_cast %add3A_684 : i32 to index
        %get3A_728 = arith.constant 80 : index
        %get3A_729 = tpu.vector_load %arg10[%get3A_727, %get3A_728] {strides = array<i32>} : memref<80x128xf32, #tpu.memory_space<vmem>>, vector<16xf32>,
        %mul3A_730 = vector.broadcast %squeeze3A_686 : f32 to vector<16xf32>
        %mul3A_731 = arith.mulf %get3A_729, %mul3A_730 : vector<16xf32>
        %swap3A_732 = arith.index_cast %add3A_684 : i32 to index
        %swap3A_733 = arith.constant 80 : index
        %swap3A_734 = tpu.vector_load %arg10[%swap3A_732, %swap3A_733] {strides = array<i32>} : memref<80x128xf32, #tpu.memory_space<vmem>>, vector<16xf32>,
        tpu.vector_store %arg10[%swap3A_732, %swap3A_733], %mul3A_731 {strides = array<i32>} : memref<80x128xf32, #tpu.memory_space<vmem>>, vector<16xf32>,
        %get3A_735 = arith.index_cast %add3A_684 : i32 to index
        %get3A_736 = arith.constant 96 : index
        %get3A_737 = tpu.vector_load %arg10[%get3A_735, %get3A_736] {strides = array<i32>} : memref<80x128xf32, #tpu.memory_space<vmem>>, vector<16xf32>,
        %mul3A_738 = vector.broadcast %squeeze3A_686 : f32 to vector<16xf32>
        %mul3A_739 = arith.mulf %get3A_737, %mul3A_738 : vector<16xf32>
        %swap3A_740 = arith.index_cast %add3A_684 : i32 to index
        %swap3A_741 = arith.constant 96 : index
        %swap3A_742 = tpu.vector_load %arg10[%swap3A_740, %swap3A_741] {strides = array<i32>} : memref<80x128xf32, #tpu.memory_space<vmem>>, vector<16xf32>,
        tpu.vector_store %arg10[%swap3A_740, %swap3A_741], %mul3A_739 {strides = array<i32>} : memref<80x128xf32, #tpu.memory_space<vmem>>, vector<16xf32>,
        %get3A_743 = arith.index_cast %add3A_684 : i32 to index
        %get3A_744 = arith.constant 112 : index
        %get3A_745 = tpu.vector_load %arg10[%get3A_743, %get3A_744] {strides = array<i32>} : memref<80x128xf32, #tpu.memory_space<vmem>>, vector<16xf32>,
        %mul3A_746 = vector.broadcast %squeeze3A_686 : f32 to vector<16xf32>
        %mul3A_747 = arith.mulf %get3A_745, %mul3A_746 : vector<16xf32>
        %swap3A_748 = arith.index_cast %add3A_684 : i32 to index
        %swap3A_749 = arith.constant 112 : index
        %swap3A_750 = tpu.vector_load %arg10[%swap3A_748, %swap3A_749] {strides = array<i32>} : memref<80x128xf32, #tpu.memory_space<vmem>>, vector<16xf32>,
        tpu.vector_store %arg10[%swap3A_748, %swap3A_749], %mul3A_747 {strides = array<i32>} : memref<80x128xf32, #tpu.memory_space<vmem>>, vector<16xf32>,
        %mul3A_751 = arith.constant 16 : i32
        %mul3A_752 = arith.muli %scan3A_42, %mul3A_751 : i32
        %add3A_753 = arith.constant 10 : i32
        %add3A_754 = arith.addi %mul3A_752, %add3A_753 : i32
        %slice3A_755 = vector.extract_strided_slice %div3A_53 {offsets = [10], sizes = [1], strides = [1]} : vector<16xf32> to vector<1xf32>
        %squeeze3A_756 = vector.extract %slice3A_755[0] : f32 from vector<1xf32>
        %get3A_757 = arith.index_cast %add3A_754 : i32 to index
        %get3A_758 = arith.constant 0 : index
        %get3A_759 = tpu.vector_load %arg10[%get3A_757, %get3A_758] {strides = array<i32>} : memref<80x128xf32, #tpu.memory_space<vmem>>, vector<16xf32>,
        %mul3A_760 = vector.broadcast %squeeze3A_756 : f32 to vector<16xf32>
        %mul3A_761 = arith.mulf %get3A_759, %mul3A_760 : vector<16xf32>
        %swap3A_762 = arith.index_cast %add3A_754 : i32 to index
        %swap3A_763 = arith.constant 0 : index
        %swap3A_764 = tpu.vector_load %arg10[%swap3A_762, %swap3A_763] {strides = array<i32>} : memref<80x128xf32, #tpu.memory_space<vmem>>, vector<16xf32>,
        tpu.vector_store %arg10[%swap3A_762, %swap3A_763], %mul3A_761 {strides = array<i32>} : memref<80x128xf32, #tpu.memory_space<vmem>>, vector<16xf32>,
        %get3A_765 = arith.index_cast %add3A_754 : i32 to index
        %get3A_766 = arith.constant 16 : index
        %get3A_767 = tpu.vector_load %arg10[%get3A_765, %get3A_766] {strides = array<i32>} : memref<80x128xf32, #tpu.memory_space<vmem>>, vector<16xf32>,
        %mul3A_768 = vector.broadcast %squeeze3A_756 : f32 to vector<16xf32>
        %mul3A_769 = arith.mulf %get3A_767, %mul3A_768 : vector<16xf32>
        %swap3A_770 = arith.index_cast %add3A_754 : i32 to index
        %swap3A_771 = arith.constant 16 : index
        %swap3A_772 = tpu.vector_load %arg10[%swap3A_770, %swap3A_771] {strides = array<i32>} : memref<80x128xf32, #tpu.memory_space<vmem>>, vector<16xf32>,
        tpu.vector_store %arg10[%swap3A_770, %swap3A_771], %mul3A_769 {strides = array<i32>} : memref<80x128xf32, #tpu.memory_space<vmem>>, vector<16xf32>,
        %get3A_773 = arith.index_cast %add3A_754 : i32 to index
        %get3A_774 = arith.constant 32 : index
        %get3A_775 = tpu.vector_load %arg10[%get3A_773, %get3A_774] {strides = array<i32>} : memref<80x128xf32, #tpu.memory_space<vmem>>, vector<16xf32>,
        %mul3A_776 = vector.broadcast %squeeze3A_756 : f32 to vector<16xf32>
        %mul3A_777 = arith.mulf %get3A_775, %mul3A_776 : vector<16xf32>
        %swap3A_778 = arith.index_cast %add3A_754 : i32 to index
        %swap3A_779 = arith.constant 32 : index
        %swap3A_780 = tpu.vector_load %arg10[%swap3A_778, %swap3A_779] {strides = array<i32>} : memref<80x128xf32, #tpu.memory_space<vmem>>, vector<16xf32>,
        tpu.vector_store %arg10[%swap3A_778, %swap3A_779], %mul3A_777 {strides = array<i32>} : memref<80x128xf32, #tpu.memory_space<vmem>>, vector<16xf32>,
        %get3A_781 = arith.index_cast %add3A_754 : i32 to index
        %get3A_782 = arith.constant 48 : index
        %get3A_783 = tpu.vector_load %arg10[%get3A_781, %get3A_782] {strides = array<i32>} : memref<80x128xf32, #tpu.memory_space<vmem>>, vector<16xf32>,
        %mul3A_784 = vector.broadcast %squeeze3A_756 : f32 to vector<16xf32>
        %mul3A_785 = arith.mulf %get3A_783, %mul3A_784 : vector<16xf32>
        %swap3A_786 = arith.index_cast %add3A_754 : i32 to index
        %swap3A_787 = arith.constant 48 : index
        %swap3A_788 = tpu.vector_load %arg10[%swap3A_786, %swap3A_787] {strides = array<i32>} : memref<80x128xf32, #tpu.memory_space<vmem>>, vector<16xf32>,
        tpu.vector_store %arg10[%swap3A_786, %swap3A_787], %mul3A_785 {strides = array<i32>} : memref<80x128xf32, #tpu.memory_space<vmem>>, vector<16xf32>,
        %get3A_789 = arith.index_cast %add3A_754 : i32 to index
        %get3A_790 = arith.constant 64 : index
        %get3A_791 = tpu.vector_load %arg10[%get3A_789, %get3A_790] {strides = array<i32>} : memref<80x128xf32, #tpu.memory_space<vmem>>, vector<16xf32>,
        %mul3A_792 = vector.broadcast %squeeze3A_756 : f32 to vector<16xf32>
        %mul3A_793 = arith.mulf %get3A_791, %mul3A_792 : vector<16xf32>
        %swap3A_794 = arith.index_cast %add3A_754 : i32 to index
        %swap3A_795 = arith.constant 64 : index
        %swap3A_796 = tpu.vector_load %arg10[%swap3A_794, %swap3A_795] {strides = array<i32>} : memref<80x128xf32, #tpu.memory_space<vmem>>, vector<16xf32>,
        tpu.vector_store %arg10[%swap3A_794, %swap3A_795], %mul3A_793 {strides = array<i32>} : memref<80x128xf32, #tpu.memory_space<vmem>>, vector<16xf32>,
        %get3A_797 = arith.index_cast %add3A_754 : i32 to index
        %get3A_798 = arith.constant 80 : index
        %get3A_799 = tpu.vector_load %arg10[%get3A_797, %get3A_798] {strides = array<i32>} : memref<80x128xf32, #tpu.memory_space<vmem>>, vector<16xf32>,
        %mul3A_800 = vector.broadcast %squeeze3A_756 : f32 to vector<16xf32>
        %mul3A_801 = arith.mulf %get3A_799, %mul3A_800 : vector<16xf32>
        %swap3A_802 = arith.index_cast %add3A_754 : i32 to index
        %swap3A_803 = arith.constant 80 : index
        %swap3A_804 = tpu.vector_load %arg10[%swap3A_802, %swap3A_803] {strides = array<i32>} : memref<80x128xf32, #tpu.memory_space<vmem>>, vector<16xf32>,
        tpu.vector_store %arg10[%swap3A_802, %swap3A_803], %mul3A_801 {strides = array<i32>} : memref<80x128xf32, #tpu.memory_space<vmem>>, vector<16xf32>,
        %get3A_805 = arith.index_cast %add3A_754 : i32 to index
        %get3A_806 = arith.constant 96 : index
        %get3A_807 = tpu.vector_load %arg10[%get3A_805, %get3A_806] {strides = array<i32>} : memref<80x128xf32, #tpu.memory_space<vmem>>, vector<16xf32>,
        %mul3A_808 = vector.broadcast %squeeze3A_756 : f32 to vector<16xf32>
        %mul3A_809 = arith.mulf %get3A_807, %mul3A_808 : vector<16xf32>
        %swap3A_810 = arith.index_cast %add3A_754 : i32 to index
        %swap3A_811 = arith.constant 96 : index
        %swap3A_812 = tpu.vector_load %arg10[%swap3A_810, %swap3A_811] {strides = array<i32>} : memref<80x128xf32, #tpu.memory_space<vmem>>, vector<16xf32>,
        tpu.vector_store %arg10[%swap3A_810, %swap3A_811], %mul3A_809 {strides = array<i32>} : memref<80x128xf32, #tpu.memory_space<vmem>>, vector<16xf32>,
        %get3A_813 = arith.index_cast %add3A_754 : i32 to index
        %get3A_814 = arith.constant 112 : index
        %get3A_815 = tpu.vector_load %arg10[%get3A_813, %get3A_814] {strides = array<i32>} : memref<80x128xf32, #tpu.memory_space<vmem>>, vector<16xf32>,
        %mul3A_816 = vector.broadcast %squeeze3A_756 : f32 to vector<16xf32>
        %mul3A_817 = arith.mulf %get3A_815, %mul3A_816 : vector<16xf32>
        %swap3A_818 = arith.index_cast %add3A_754 : i32 to index
        %swap3A_819 = arith.constant 112 : index
        %swap3A_820 = tpu.vector_load %arg10[%swap3A_818, %swap3A_819] {strides = array<i32>} : memref<80x128xf32, #tpu.memory_space<vmem>>, vector<16xf32>,
        tpu.vector_store %arg10[%swap3A_818, %swap3A_819], %mul3A_817 {strides = array<i32>} : memref<80x128xf32, #tpu.memory_space<vmem>>, vector<16xf32>,
        %mul3A_821 = arith.constant 16 : i32
        %mul3A_822 = arith.muli %scan3A_42, %mul3A_821 : i32
        %add3A_823 = arith.constant 11 : i32
        %add3A_824 = arith.addi %mul3A_822, %add3A_823 : i32
        %slice3A_825 = vector.extract_strided_slice %div3A_53 {offsets = [11], sizes = [1], strides = [1]} : vector<16xf32> to vector<1xf32>
        %squeeze3A_826 = vector.extract %slice3A_825[0] : f32 from vector<1xf32>
        %get3A_827 = arith.index_cast %add3A_824 : i32 to index
        %get3A_828 = arith.constant 0 : index
        %get3A_829 = tpu.vector_load %arg10[%get3A_827, %get3A_828] {strides = array<i32>} : memref<80x128xf32, #tpu.memory_space<vmem>>, vector<16xf32>,
        %mul3A_830 = vector.broadcast %squeeze3A_826 : f32 to vector<16xf32>
        %mul3A_831 = arith.mulf %get3A_829, %mul3A_830 : vector<16xf32>
        %swap3A_832 = arith.index_cast %add3A_824 : i32 to index
        %swap3A_833 = arith.constant 0 : index
        %swap3A_834 = tpu.vector_load %arg10[%swap3A_832, %swap3A_833] {strides = array<i32>} : memref<80x128xf32, #tpu.memory_space<vmem>>, vector<16xf32>,
        tpu.vector_store %arg10[%swap3A_832, %swap3A_833], %mul3A_831 {strides = array<i32>} : memref<80x128xf32, #tpu.memory_space<vmem>>, vector<16xf32>,
        %get3A_835 = arith.index_cast %add3A_824 : i32 to index
        %get3A_836 = arith.constant 16 : index
        %get3A_837 = tpu.vector_load %arg10[%get3A_835, %get3A_836] {strides = array<i32>} : memref<80x128xf32, #tpu.memory_space<vmem>>, vector<16xf32>,
        %mul3A_838 = vector.broadcast %squeeze3A_826 : f32 to vector<16xf32>
        %mul3A_839 = arith.mulf %get3A_837, %mul3A_838 : vector<16xf32>
        %swap3A_840 = arith.index_cast %add3A_824 : i32 to index
        %swap3A_841 = arith.constant 16 : index
        %swap3A_842 = tpu.vector_load %arg10[%swap3A_840, %swap3A_841] {strides = array<i32>} : memref<80x128xf32, #tpu.memory_space<vmem>>, vector<16xf32>,
        tpu.vector_store %arg10[%swap3A_840, %swap3A_841], %mul3A_839 {strides = array<i32>} : memref<80x128xf32, #tpu.memory_space<vmem>>, vector<16xf32>,
        %get3A_843 = arith.index_cast %add3A_824 : i32 to index
        %get3A_844 = arith.constant 32 : index
        %get3A_845 = tpu.vector_load %arg10[%get3A_843, %get3A_844] {strides = array<i32>} : memref<80x128xf32, #tpu.memory_space<vmem>>, vector<16xf32>,
        %mul3A_846 = vector.broadcast %squeeze3A_826 : f32 to vector<16xf32>
        %mul3A_847 = arith.mulf %get3A_845, %mul3A_846 : vector<16xf32>
        %swap3A_848 = arith.index_cast %add3A_824 : i32 to index
        %swap3A_849 = arith.constant 32 : index
        %swap3A_850 = tpu.vector_load %arg10[%swap3A_848, %swap3A_849] {strides = array<i32>} : memref<80x128xf32, #tpu.memory_space<vmem>>, vector<16xf32>,
        tpu.vector_store %arg10[%swap3A_848, %swap3A_849], %mul3A_847 {strides = array<i32>} : memref<80x128xf32, #tpu.memory_space<vmem>>, vector<16xf32>,
        %get3A_851 = arith.index_cast %add3A_824 : i32 to index
        %get3A_852 = arith.constant 48 : index
        %get3A_853 = tpu.vector_load %arg10[%get3A_851, %get3A_852] {strides = array<i32>} : memref<80x128xf32, #tpu.memory_space<vmem>>, vector<16xf32>,
        %mul3A_854 = vector.broadcast %squeeze3A_826 : f32 to vector<16xf32>
        %mul3A_855 = arith.mulf %get3A_853, %mul3A_854 : vector<16xf32>
        %swap3A_856 = arith.index_cast %add3A_824 : i32 to index
        %swap3A_857 = arith.constant 48 : index
        %swap3A_858 = tpu.vector_load %arg10[%swap3A_856, %swap3A_857] {strides = array<i32>} : memref<80x128xf32, #tpu.memory_space<vmem>>, vector<16xf32>,
        tpu.vector_store %arg10[%swap3A_856, %swap3A_857], %mul3A_855 {strides = array<i32>} : memref<80x128xf32, #tpu.memory_space<vmem>>, vector<16xf32>,
        %get3A_859 = arith.index_cast %add3A_824 : i32 to index
        %get3A_860 = arith.constant 64 : index
        %get3A_861 = tpu.vector_load %arg10[%get3A_859, %get3A_860] {strides = array<i32>} : memref<80x128xf32, #tpu.memory_space<vmem>>, vector<16xf32>,
        %mul3A_862 = vector.broadcast %squeeze3A_826 : f32 to vector<16xf32>
        %mul3A_863 = arith.mulf %get3A_861, %mul3A_862 : vector<16xf32>
        %swap3A_864 = arith.index_cast %add3A_824 : i32 to index
        %swap3A_865 = arith.constant 64 : index
        %swap3A_866 = tpu.vector_load %arg10[%swap3A_864, %swap3A_865] {strides = array<i32>} : memref<80x128xf32, #tpu.memory_space<vmem>>, vector<16xf32>,
        tpu.vector_store %arg10[%swap3A_864, %swap3A_865], %mul3A_863 {strides = array<i32>} : memref<80x128xf32, #tpu.memory_space<vmem>>, vector<16xf32>,
        %get3A_867 = arith.index_cast %add3A_824 : i32 to index
        %get3A_868 = arith.constant 80 : index
        %get3A_869 = tpu.vector_load %arg10[%get3A_867, %get3A_868] {strides = array<i32>} : memref<80x128xf32, #tpu.memory_space<vmem>>, vector<16xf32>,
        %mul3A_870 = vector.broadcast %squeeze3A_826 : f32 to vector<16xf32>
        %mul3A_871 = arith.mulf %get3A_869, %mul3A_870 : vector<16xf32>
        %swap3A_872 = arith.index_cast %add3A_824 : i32 to index
        %swap3A_873 = arith.constant 80 : index
        %swap3A_874 = tpu.vector_load %arg10[%swap3A_872, %swap3A_873] {strides = array<i32>} : memref<80x128xf32, #tpu.memory_space<vmem>>, vector<16xf32>,
        tpu.vector_store %arg10[%swap3A_872, %swap3A_873], %mul3A_871 {strides = array<i32>} : memref<80x128xf32, #tpu.memory_space<vmem>>, vector<16xf32>,
        %get3A_875 = arith.index_cast %add3A_824 : i32 to index
        %get3A_876 = arith.constant 96 : index
        %get3A_877 = tpu.vector_load %arg10[%get3A_875, %get3A_876] {strides = array<i32>} : memref<80x128xf32, #tpu.memory_space<vmem>>, vector<16xf32>,
        %mul3A_878 = vector.broadcast %squeeze3A_826 : f32 to vector<16xf32>
        %mul3A_879 = arith.mulf %get3A_877, %mul3A_878 : vector<16xf32>
        %swap3A_880 = arith.index_cast %add3A_824 : i32 to index
        %swap3A_881 = arith.constant 96 : index
        %swap3A_882 = tpu.vector_load %arg10[%swap3A_880, %swap3A_881] {strides = array<i32>} : memref<80x128xf32, #tpu.memory_space<vmem>>, vector<16xf32>,
        tpu.vector_store %arg10[%swap3A_880, %swap3A_881], %mul3A_879 {strides = array<i32>} : memref<80x128xf32, #tpu.memory_space<vmem>>, vector<16xf32>,
        %get3A_883 = arith.index_cast %add3A_824 : i32 to index
        %get3A_884 = arith.constant 112 : index
        %get3A_885 = tpu.vector_load %arg10[%get3A_883, %get3A_884] {strides = array<i32>} : memref<80x128xf32, #tpu.memory_space<vmem>>, vector<16xf32>,
        %mul3A_886 = vector.broadcast %squeeze3A_826 : f32 to vector<16xf32>
        %mul3A_887 = arith.mulf %get3A_885, %mul3A_886 : vector<16xf32>
        %swap3A_888 = arith.index_cast %add3A_824 : i32 to index
        %swap3A_889 = arith.constant 112 : index
        %swap3A_890 = tpu.vector_load %arg10[%swap3A_888, %swap3A_889] {strides = array<i32>} : memref<80x128xf32, #tpu.memory_space<vmem>>, vector<16xf32>,
        tpu.vector_store %arg10[%swap3A_888, %swap3A_889], %mul3A_887 {strides = array<i32>} : memref<80x128xf32, #tpu.memory_space<vmem>>, vector<16xf32>,
        %mul3A_891 = arith.constant 16 : i32
        %mul3A_892 = arith.muli %scan3A_42, %mul3A_891 : i32
        %add3A_893 = arith.constant 12 : i32
        %add3A_894 = arith.addi %mul3A_892, %add3A_893 : i32
        %slice3A_895 = vector.extract_strided_slice %div3A_53 {offsets = [12], sizes = [1], strides = [1]} : vector<16xf32> to vector<1xf32>
        %squeeze3A_896 = vector.extract %slice3A_895[0] : f32 from vector<1xf32>
        %get3A_897 = arith.index_cast %add3A_894 : i32 to index
        %get3A_898 = arith.constant 0 : index
        %get3A_899 = tpu.vector_load %arg10[%get3A_897, %get3A_898] {strides = array<i32>} : memref<80x128xf32, #tpu.memory_space<vmem>>, vector<16xf32>,
        %mul3A_900 = vector.broadcast %squeeze3A_896 : f32 to vector<16xf32>
        %mul3A_901 = arith.mulf %get3A_899, %mul3A_900 : vector<16xf32>
        %swap3A_902 = arith.index_cast %add3A_894 : i32 to index
        %swap3A_903 = arith.constant 0 : index
        %swap3A_904 = tpu.vector_load %arg10[%swap3A_902, %swap3A_903] {strides = array<i32>} : memref<80x128xf32, #tpu.memory_space<vmem>>, vector<16xf32>,
        tpu.vector_store %arg10[%swap3A_902, %swap3A_903], %mul3A_901 {strides = array<i32>} : memref<80x128xf32, #tpu.memory_space<vmem>>, vector<16xf32>,
        %get3A_905 = arith.index_cast %add3A_894 : i32 to index
        %get3A_906 = arith.constant 16 : index
        %get3A_907 = tpu.vector_load %arg10[%get3A_905, %get3A_906] {strides = array<i32>} : memref<80x128xf32, #tpu.memory_space<vmem>>, vector<16xf32>,
        %mul3A_908 = vector.broadcast %squeeze3A_896 : f32 to vector<16xf32>
        %mul3A_909 = arith.mulf %get3A_907, %mul3A_908 : vector<16xf32>
        %swap3A_910 = arith.index_cast %add3A_894 : i32 to index
        %swap3A_911 = arith.constant 16 : index
        %swap3A_912 = tpu.vector_load %arg10[%swap3A_910, %swap3A_911] {strides = array<i32>} : memref<80x128xf32, #tpu.memory_space<vmem>>, vector<16xf32>,
        tpu.vector_store %arg10[%swap3A_910, %swap3A_911], %mul3A_909 {strides = array<i32>} : memref<80x128xf32, #tpu.memory_space<vmem>>, vector<16xf32>,
        %get3A_913 = arith.index_cast %add3A_894 : i32 to index
        %get3A_914 = arith.constant 32 : index
        %get3A_915 = tpu.vector_load %arg10[%get3A_913, %get3A_914] {strides = array<i32>} : memref<80x128xf32, #tpu.memory_space<vmem>>, vector<16xf32>,
        %mul3A_916 = vector.broadcast %squeeze3A_896 : f32 to vector<16xf32>
        %mul3A_917 = arith.mulf %get3A_915, %mul3A_916 : vector<16xf32>
        %swap3A_918 = arith.index_cast %add3A_894 : i32 to index
        %swap3A_919 = arith.constant 32 : index
        %swap3A_920 = tpu.vector_load %arg10[%swap3A_918, %swap3A_919] {strides = array<i32>} : memref<80x128xf32, #tpu.memory_space<vmem>>, vector<16xf32>,
        tpu.vector_store %arg10[%swap3A_918, %swap3A_919], %mul3A_917 {strides = array<i32>} : memref<80x128xf32, #tpu.memory_space<vmem>>, vector<16xf32>,
        %get3A_921 = arith.index_cast %add3A_894 : i32 to index
        %get3A_922 = arith.constant 48 : index
        %get3A_923 = tpu.vector_load %arg10[%get3A_921, %get3A_922] {strides = array<i32>} : memref<80x128xf32, #tpu.memory_space<vmem>>, vector<16xf32>,
        %mul3A_924 = vector.broadcast %squeeze3A_896 : f32 to vector<16xf32>
        %mul3A_925 = arith.mulf %get3A_923, %mul3A_924 : vector<16xf32>
        %swap3A_926 = arith.index_cast %add3A_894 : i32 to index
        %swap3A_927 = arith.constant 48 : index
        %swap3A_928 = tpu.vector_load %arg10[%swap3A_926, %swap3A_927] {strides = array<i32>} : memref<80x128xf32, #tpu.memory_space<vmem>>, vector<16xf32>,
        tpu.vector_store %arg10[%swap3A_926, %swap3A_927], %mul3A_925 {strides = array<i32>} : memref<80x128xf32, #tpu.memory_space<vmem>>, vector<16xf32>,
        %get3A_929 = arith.index_cast %add3A_894 : i32 to index
        %get3A_930 = arith.constant 64 : index
        %get3A_931 = tpu.vector_load %arg10[%get3A_929, %get3A_930] {strides = array<i32>} : memref<80x128xf32, #tpu.memory_space<vmem>>, vector<16xf32>,
        %mul3A_932 = vector.broadcast %squeeze3A_896 : f32 to vector<16xf32>
        %mul3A_933 = arith.mulf %get3A_931, %mul3A_932 : vector<16xf32>
        %swap3A_934 = arith.index_cast %add3A_894 : i32 to index
        %swap3A_935 = arith.constant 64 : index
        %swap3A_936 = tpu.vector_load %arg10[%swap3A_934, %swap3A_935] {strides = array<i32>} : memref<80x128xf32, #tpu.memory_space<vmem>>, vector<16xf32>,
        tpu.vector_store %arg10[%swap3A_934, %swap3A_935], %mul3A_933 {strides = array<i32>} : memref<80x128xf32, #tpu.memory_space<vmem>>, vector<16xf32>,
        %get3A_937 = arith.index_cast %add3A_894 : i32 to index
        %get3A_938 = arith.constant 80 : index
        %get3A_939 = tpu.vector_load %arg10[%get3A_937, %get3A_938] {strides = array<i32>} : memref<80x128xf32, #tpu.memory_space<vmem>>, vector<16xf32>,
        %mul3A_940 = vector.broadcast %squeeze3A_896 : f32 to vector<16xf32>
        %mul3A_941 = arith.mulf %get3A_939, %mul3A_940 : vector<16xf32>
        %swap3A_942 = arith.index_cast %add3A_894 : i32 to index
        %swap3A_943 = arith.constant 80 : index
        %swap3A_944 = tpu.vector_load %arg10[%swap3A_942, %swap3A_943] {strides = array<i32>} : memref<80x128xf32, #tpu.memory_space<vmem>>, vector<16xf32>,
        tpu.vector_store %arg10[%swap3A_942, %swap3A_943], %mul3A_941 {strides = array<i32>} : memref<80x128xf32, #tpu.memory_space<vmem>>, vector<16xf32>,
        %get3A_945 = arith.index_cast %add3A_894 : i32 to index
        %get3A_946 = arith.constant 96 : index
        %get3A_947 = tpu.vector_load %arg10[%get3A_945, %get3A_946] {strides = array<i32>} : memref<80x128xf32, #tpu.memory_space<vmem>>, vector<16xf32>,
        %mul3A_948 = vector.broadcast %squeeze3A_896 : f32 to vector<16xf32>
        %mul3A_949 = arith.mulf %get3A_947, %mul3A_948 : vector<16xf32>
        %swap3A_950 = arith.index_cast %add3A_894 : i32 to index
        %swap3A_951 = arith.constant 96 : index
        %swap3A_952 = tpu.vector_load %arg10[%swap3A_950, %swap3A_951] {strides = array<i32>} : memref<80x128xf32, #tpu.memory_space<vmem>>, vector<16xf32>,
        tpu.vector_store %arg10[%swap3A_950, %swap3A_951], %mul3A_949 {strides = array<i32>} : memref<80x128xf32, #tpu.memory_space<vmem>>, vector<16xf32>,
        %get3A_953 = arith.index_cast %add3A_894 : i32 to index
        %get3A_954 = arith.constant 112 : index
        %get3A_955 = tpu.vector_load %arg10[%get3A_953, %get3A_954] {strides = array<i32>} : memref<80x128xf32, #tpu.memory_space<vmem>>, vector<16xf32>,
        %mul3A_956 = vector.broadcast %squeeze3A_896 : f32 to vector<16xf32>
        %mul3A_957 = arith.mulf %get3A_955, %mul3A_956 : vector<16xf32>
        %swap3A_958 = arith.index_cast %add3A_894 : i32 to index
        %swap3A_959 = arith.constant 112 : index
        %swap3A_960 = tpu.vector_load %arg10[%swap3A_958, %swap3A_959] {strides = array<i32>} : memref<80x128xf32, #tpu.memory_space<vmem>>, vector<16xf32>,
        tpu.vector_store %arg10[%swap3A_958, %swap3A_959], %mul3A_957 {strides = array<i32>} : memref<80x128xf32, #tpu.memory_space<vmem>>, vector<16xf32>,
        %mul3A_961 = arith.constant 16 : i32
        %mul3A_962 = arith.muli %scan3A_42, %mul3A_961 : i32
        %add3A_963 = arith.constant 13 : i32
        %add3A_964 = arith.addi %mul3A_962, %add3A_963 : i32
        %slice3A_965 = vector.extract_strided_slice %div3A_53 {offsets = [13], sizes = [1], strides = [1]} : vector<16xf32> to vector<1xf32>
        %squeeze3A_966 = vector.extract %slice3A_965[0] : f32 from vector<1xf32>
        %get3A_967 = arith.index_cast %add3A_964 : i32 to index
        %get3A_968 = arith.constant 0 : index
        %get3A_969 = tpu.vector_load %arg10[%get3A_967, %get3A_968] {strides = array<i32>} : memref<80x128xf32, #tpu.memory_space<vmem>>, vector<16xf32>,
        %mul3A_970 = vector.broadcast %squeeze3A_966 : f32 to vector<16xf32>
        %mul3A_971 = arith.mulf %get3A_969, %mul3A_970 : vector<16xf32>
        %swap3A_972 = arith.index_cast %add3A_964 : i32 to index
        %swap3A_973 = arith.constant 0 : index
        %swap3A_974 = tpu.vector_load %arg10[%swap3A_972, %swap3A_973] {strides = array<i32>} : memref<80x128xf32, #tpu.memory_space<vmem>>, vector<16xf32>,
        tpu.vector_store %arg10[%swap3A_972, %swap3A_973], %mul3A_971 {strides = array<i32>} : memref<80x128xf32, #tpu.memory_space<vmem>>, vector<16xf32>,
        %get3A_975 = arith.index_cast %add3A_964 : i32 to index
        %get3A_976 = arith.constant 16 : index
        %get3A_977 = tpu.vector_load %arg10[%get3A_975, %get3A_976] {strides = array<i32>} : memref<80x128xf32, #tpu.memory_space<vmem>>, vector<16xf32>,
        %mul3A_978 = vector.broadcast %squeeze3A_966 : f32 to vector<16xf32>
        %mul3A_979 = arith.mulf %get3A_977, %mul3A_978 : vector<16xf32>
        %swap3A_980 = arith.index_cast %add3A_964 : i32 to index
        %swap3A_981 = arith.constant 16 : index
        %swap3A_982 = tpu.vector_load %arg10[%swap3A_980, %swap3A_981] {strides = array<i32>} : memref<80x128xf32, #tpu.memory_space<vmem>>, vector<16xf32>,
        tpu.vector_store %arg10[%swap3A_980, %swap3A_981], %mul3A_979 {strides = array<i32>} : memref<80x128xf32, #tpu.memory_space<vmem>>, vector<16xf32>,
        %get3A_983 = arith.index_cast %add3A_964 : i32 to index
        %get3A_984 = arith.constant 32 : index
        %get3A_985 = tpu.vector_load %arg10[%get3A_983, %get3A_984] {strides = array<i32>} : memref<80x128xf32, #tpu.memory_space<vmem>>, vector<16xf32>,
        %mul3A_986 = vector.broadcast %squeeze3A_966 : f32 to vector<16xf32>
        %mul3A_987 = arith.mulf %get3A_985, %mul3A_986 : vector<16xf32>
        %swap3A_988 = arith.index_cast %add3A_964 : i32 to index
        %swap3A_989 = arith.constant 32 : index
        %swap3A_990 = tpu.vector_load %arg10[%swap3A_988, %swap3A_989] {strides = array<i32>} : memref<80x128xf32, #tpu.memory_space<vmem>>, vector<16xf32>,
        tpu.vector_store %arg10[%swap3A_988, %swap3A_989], %mul3A_987 {strides = array<i32>} : memref<80x128xf32, #tpu.memory_space<vmem>>, vector<16xf32>,
        %get3A_991 = arith.index_cast %add3A_964 : i32 to index
        %get3A_992 = arith.constant 48 : index
        %get3A_993 = tpu.vector_load %arg10[%get3A_991, %get3A_992] {strides = array<i32>} : memref<80x128xf32, #tpu.memory_space<vmem>>, vector<16xf32>,
        %mul3A_994 = vector.broadcast %squeeze3A_966 : f32 to vector<16xf32>
        %mul3A_995 = arith.mulf %get3A_993, %mul3A_994 : vector<16xf32>
        %swap3A_996 = arith.index_cast %add3A_964 : i32 to index
        %swap3A_997 = arith.constant 48 : index
        %swap3A_998 = tpu.vector_load %arg10[%swap3A_996, %swap3A_997] {strides = array<i32>} : memref<80x128xf32, #tpu.memory_space<vmem>>, vector<16xf32>,
        tpu.vector_store %arg10[%swap3A_996, %swap3A_997], %mul3A_995 {strides = array<i32>} : memref<80x128xf32, #tpu.memory_space<vmem>>, vector<16xf32>,
        %get3A_999 = arith.index_cast %add3A_964 : i32 to index
        %get3A_1000 = arith.constant 64 : index
        %get3A_1001 = tpu.vector_load %arg10[%get3A_999, %get3A_1000] {strides = array<i32>} : memref<80x128xf32, #tpu.memory_space<vmem>>, vector<16xf32>,
        %mul3A_1002 = vector.broadcast %squeeze3A_966 : f32 to vector<16xf32>
        %mul3A_1003 = arith.mulf %get3A_1001, %mul3A_1002 : vector<16xf32>
        %swap3A_1004 = arith.index_cast %add3A_964 : i32 to index
        %swap3A_1005 = arith.constant 64 : index
        %swap3A_1006 = tpu.vector_load %arg10[%swap3A_1004, %swap3A_1005] {strides = array<i32>} : memref<80x128xf32, #tpu.memory_space<vmem>>, vector<16xf32>,
        tpu.vector_store %arg10[%swap3A_1004, %swap3A_1005], %mul3A_1003 {strides = array<i32>} : memref<80x128xf32, #tpu.memory_space<vmem>>, vector<16xf32>,
        %get3A_1007 = arith.index_cast %add3A_964 : i32 to index
        %get3A_1008 = arith.constant 80 : index
        %get3A_1009 = tpu.vector_load %arg10[%get3A_1007, %get3A_1008] {strides = array<i32>} : memref<80x128xf32, #tpu.memory_space<vmem>>, vector<16xf32>,
        %mul3A_1010 = vector.broadcast %squeeze3A_966 : f32 to vector<16xf32>
        %mul3A_1011 = arith.mulf %get3A_1009, %mul3A_1010 : vector<16xf32>
        %swap3A_1012 = arith.index_cast %add3A_964 : i32 to index
        %swap3A_1013 = arith.constant 80 : index
        %swap3A_1014 = tpu.vector_load %arg10[%swap3A_1012, %swap3A_1013] {strides = array<i32>} : memref<80x128xf32, #tpu.memory_space<vmem>>, vector<16xf32>,
        tpu.vector_store %arg10[%swap3A_1012, %swap3A_1013], %mul3A_1011 {strides = array<i32>} : memref<80x128xf32, #tpu.memory_space<vmem>>, vector<16xf32>,
        %get3A_1015 = arith.index_cast %add3A_964 : i32 to index
        %get3A_1016 = arith.constant 96 : index
        %get3A_1017 = tpu.vector_load %arg10[%get3A_1015, %get3A_1016] {strides = array<i32>} : memref<80x128xf32, #tpu.memory_space<vmem>>, vector<16xf32>,
        %mul3A_1018 = vector.broadcast %squeeze3A_966 : f32 to vector<16xf32>
        %mul3A_1019 = arith.mulf %get3A_1017, %mul3A_1018 : vector<16xf32>
        %swap3A_1020 = arith.index_cast %add3A_964 : i32 to index
        %swap3A_1021 = arith.constant 96 : index
        %swap3A_1022 = tpu.vector_load %arg10[%swap3A_1020, %swap3A_1021] {strides = array<i32>} : memref<80x128xf32, #tpu.memory_space<vmem>>, vector<16xf32>,
        tpu.vector_store %arg10[%swap3A_1020, %swap3A_1021], %mul3A_1019 {strides = array<i32>} : memref<80x128xf32, #tpu.memory_space<vmem>>, vector<16xf32>,
        %get3A_1023 = arith.index_cast %add3A_964 : i32 to index
        %get3A_1024 = arith.constant 112 : index
        %get3A_1025 = tpu.vector_load %arg10[%get3A_1023, %get3A_1024] {strides = array<i32>} : memref<80x128xf32, #tpu.memory_space<vmem>>, vector<16xf32>,
        %mul3A_1026 = vector.broadcast %squeeze3A_966 : f32 to vector<16xf32>
        %mul3A_1027 = arith.mulf %get3A_1025, %mul3A_1026 : vector<16xf32>
        %swap3A_1028 = arith.index_cast %add3A_964 : i32 to index
        %swap3A_1029 = arith.constant 112 : index
        %swap3A_1030 = tpu.vector_load %arg10[%swap3A_1028, %swap3A_1029] {strides = array<i32>} : memref<80x128xf32, #tpu.memory_space<vmem>>, vector<16xf32>,
        tpu.vector_store %arg10[%swap3A_1028, %swap3A_1029], %mul3A_1027 {strides = array<i32>} : memref<80x128xf32, #tpu.memory_space<vmem>>, vector<16xf32>,
        %mul3A_1031 = arith.constant 16 : i32
        %mul3A_1032 = arith.muli %scan3A_42, %mul3A_1031 : i32
        %add3A_1033 = arith.constant 14 : i32
        %add3A_1034 = arith.addi %mul3A_1032, %add3A_1033 : i32
        %slice3A_1035 = vector.extract_strided_slice %div3A_53 {offsets = [14], sizes = [1], strides = [1]} : vector<16xf32> to vector<1xf32>
        %squeeze3A_1036 = vector.extract %slice3A_1035[0] : f32 from vector<1xf32>
        %get3A_1037 = arith.index_cast %add3A_1034 : i32 to index
        %get3A_1038 = arith.constant 0 : index
        %get3A_1039 = tpu.vector_load %arg10[%get3A_1037, %get3A_1038] {strides = array<i32>} : memref<80x128xf32, #tpu.memory_space<vmem>>, vector<16xf32>,
        %mul3A_1040 = vector.broadcast %squeeze3A_1036 : f32 to vector<16xf32>
        %mul3A_1041 = arith.mulf %get3A_1039, %mul3A_1040 : vector<16xf32>
        %swap3A_1042 = arith.index_cast %add3A_1034 : i32 to index
        %swap3A_1043 = arith.constant 0 : index
        %swap3A_1044 = tpu.vector_load %arg10[%swap3A_1042, %swap3A_1043] {strides = array<i32>} : memref<80x128xf32, #tpu.memory_space<vmem>>, vector<16xf32>,
        tpu.vector_store %arg10[%swap3A_1042, %swap3A_1043], %mul3A_1041 {strides = array<i32>} : memref<80x128xf32, #tpu.memory_space<vmem>>, vector<16xf32>,
        %get3A_1045 = arith.index_cast %add3A_1034 : i32 to index
        %get3A_1046 = arith.constant 16 : index
        %get3A_1047 = tpu.vector_load %arg10[%get3A_1045, %get3A_1046] {strides = array<i32>} : memref<80x128xf32, #tpu.memory_space<vmem>>, vector<16xf32>,
        %mul3A_1048 = vector.broadcast %squeeze3A_1036 : f32 to vector<16xf32>
        %mul3A_1049 = arith.mulf %get3A_1047, %mul3A_1048 : vector<16xf32>
        %swap3A_1050 = arith.index_cast %add3A_1034 : i32 to index
        %swap3A_1051 = arith.constant 16 : index
        %swap3A_1052 = tpu.vector_load %arg10[%swap3A_1050, %swap3A_1051] {strides = array<i32>} : memref<80x128xf32, #tpu.memory_space<vmem>>, vector<16xf32>,
        tpu.vector_store %arg10[%swap3A_1050, %swap3A_1051], %mul3A_1049 {strides = array<i32>} : memref<80x128xf32, #tpu.memory_space<vmem>>, vector<16xf32>,
        %get3A_1053 = arith.index_cast %add3A_1034 : i32 to index
        %get3A_1054 = arith.constant 32 : index
        %get3A_1055 = tpu.vector_load %arg10[%get3A_1053, %get3A_1054] {strides = array<i32>} : memref<80x128xf32, #tpu.memory_space<vmem>>, vector<16xf32>,
        %mul3A_1056 = vector.broadcast %squeeze3A_1036 : f32 to vector<16xf32>
        %mul3A_1057 = arith.mulf %get3A_1055, %mul3A_1056 : vector<16xf32>
        %swap3A_1058 = arith.index_cast %add3A_1034 : i32 to index
        %swap3A_1059 = arith.constant 32 : index
        %swap3A_1060 = tpu.vector_load %arg10[%swap3A_1058, %swap3A_1059] {strides = array<i32>} : memref<80x128xf32, #tpu.memory_space<vmem>>, vector<16xf32>,
        tpu.vector_store %arg10[%swap3A_1058, %swap3A_1059], %mul3A_1057 {strides = array<i32>} : memref<80x128xf32, #tpu.memory_space<vmem>>, vector<16xf32>,
        %get3A_1061 = arith.index_cast %add3A_1034 : i32 to index
        %get3A_1062 = arith.constant 48 : index
        %get3A_1063 = tpu.vector_load %arg10[%get3A_1061, %get3A_1062] {strides = array<i32>} : memref<80x128xf32, #tpu.memory_space<vmem>>, vector<16xf32>,
        %mul3A_1064 = vector.broadcast %squeeze3A_1036 : f32 to vector<16xf32>
        %mul3A_1065 = arith.mulf %get3A_1063, %mul3A_1064 : vector<16xf32>
        %swap3A_1066 = arith.index_cast %add3A_1034 : i32 to index
        %swap3A_1067 = arith.constant 48 : index
        %swap3A_1068 = tpu.vector_load %arg10[%swap3A_1066, %swap3A_1067] {strides = array<i32>} : memref<80x128xf32, #tpu.memory_space<vmem>>, vector<16xf32>,
        tpu.vector_store %arg10[%swap3A_1066, %swap3A_1067], %mul3A_1065 {strides = array<i32>} : memref<80x128xf32, #tpu.memory_space<vmem>>, vector<16xf32>,
        %get3A_1069 = arith.index_cast %add3A_1034 : i32 to index
        %get3A_1070 = arith.constant 64 : index
        %get3A_1071 = tpu.vector_load %arg10[%get3A_1069, %get3A_1070] {strides = array<i32>} : memref<80x128xf32, #tpu.memory_space<vmem>>, vector<16xf32>,
        %mul3A_1072 = vector.broadcast %squeeze3A_1036 : f32 to vector<16xf32>
        %mul3A_1073 = arith.mulf %get3A_1071, %mul3A_1072 : vector<16xf32>
        %swap3A_1074 = arith.index_cast %add3A_1034 : i32 to index
        %swap3A_1075 = arith.constant 64 : index
        %swap3A_1076 = tpu.vector_load %arg10[%swap3A_1074, %swap3A_1075] {strides = array<i32>} : memref<80x128xf32, #tpu.memory_space<vmem>>, vector<16xf32>,
        tpu.vector_store %arg10[%swap3A_1074, %swap3A_1075], %mul3A_1073 {strides = array<i32>} : memref<80x128xf32, #tpu.memory_space<vmem>>, vector<16xf32>,
        %get3A_1077 = arith.index_cast %add3A_1034 : i32 to index
        %get3A_1078 = arith.constant 80 : index
        %get3A_1079 = tpu.vector_load %arg10[%get3A_1077, %get3A_1078] {strides = array<i32>} : memref<80x128xf32, #tpu.memory_space<vmem>>, vector<16xf32>,
        %mul3A_1080 = vector.broadcast %squeeze3A_1036 : f32 to vector<16xf32>
        %mul3A_1081 = arith.mulf %get3A_1079, %mul3A_1080 : vector<16xf32>
        %swap3A_1082 = arith.index_cast %add3A_1034 : i32 to index
        %swap3A_1083 = arith.constant 80 : index
        %swap3A_1084 = tpu.vector_load %arg10[%swap3A_1082, %swap3A_1083] {strides = array<i32>} : memref<80x128xf32, #tpu.memory_space<vmem>>, vector<16xf32>,
        tpu.vector_store %arg10[%swap3A_1082, %swap3A_1083], %mul3A_1081 {strides = array<i32>} : memref<80x128xf32, #tpu.memory_space<vmem>>, vector<16xf32>,
        %get3A_1085 = arith.index_cast %add3A_1034 : i32 to index
        %get3A_1086 = arith.constant 96 : index
        %get3A_1087 = tpu.vector_load %arg10[%get3A_1085, %get3A_1086] {strides = array<i32>} : memref<80x128xf32, #tpu.memory_space<vmem>>, vector<16xf32>,
        %mul3A_1088 = vector.broadcast %squeeze3A_1036 : f32 to vector<16xf32>
        %mul3A_1089 = arith.mulf %get3A_1087, %mul3A_1088 : vector<16xf32>
        %swap3A_1090 = arith.index_cast %add3A_1034 : i32 to index
        %swap3A_1091 = arith.constant 96 : index
        %swap3A_1092 = tpu.vector_load %arg10[%swap3A_1090, %swap3A_1091] {strides = array<i32>} : memref<80x128xf32, #tpu.memory_space<vmem>>, vector<16xf32>,
        tpu.vector_store %arg10[%swap3A_1090, %swap3A_1091], %mul3A_1089 {strides = array<i32>} : memref<80x128xf32, #tpu.memory_space<vmem>>, vector<16xf32>,
        %get3A_1093 = arith.index_cast %add3A_1034 : i32 to index
        %get3A_1094 = arith.constant 112 : index
        %get3A_1095 = tpu.vector_load %arg10[%get3A_1093, %get3A_1094] {strides = array<i32>} : memref<80x128xf32, #tpu.memory_space<vmem>>, vector<16xf32>,
        %mul3A_1096 = vector.broadcast %squeeze3A_1036 : f32 to vector<16xf32>
        %mul3A_1097 = arith.mulf %get3A_1095, %mul3A_1096 : vector<16xf32>
        %swap3A_1098 = arith.index_cast %add3A_1034 : i32 to index
        %swap3A_1099 = arith.constant 112 : index
        %swap3A_1100 = tpu.vector_load %arg10[%swap3A_1098, %swap3A_1099] {strides = array<i32>} : memref<80x128xf32, #tpu.memory_space<vmem>>, vector<16xf32>,
        tpu.vector_store %arg10[%swap3A_1098, %swap3A_1099], %mul3A_1097 {strides = array<i32>} : memref<80x128xf32, #tpu.memory_space<vmem>>, vector<16xf32>,
        %mul3A_1101 = arith.constant 16 : i32
        %mul3A_1102 = arith.muli %scan3A_42, %mul3A_1101 : i32
        %add3A_1103 = arith.constant 15 : i32
        %add3A_1104 = arith.addi %mul3A_1102, %add3A_1103 : i32
        %slice3A_1105 = vector.extract_strided_slice %div3A_53 {offsets = [15], sizes = [1], strides = [1]} : vector<16xf32> to vector<1xf32>
        %squeeze3A_1106 = vector.extract %slice3A_1105[0] : f32 from vector<1xf32>
        %get3A_1107 = arith.index_cast %add3A_1104 : i32 to index
        %get3A_1108 = arith.constant 0 : index
        %get3A_1109 = tpu.vector_load %arg10[%get3A_1107, %get3A_1108] {strides = array<i32>} : memref<80x128xf32, #tpu.memory_space<vmem>>, vector<16xf32>,
        %mul3A_1110 = vector.broadcast %squeeze3A_1106 : f32 to vector<16xf32>
        %mul3A_1111 = arith.mulf %get3A_1109, %mul3A_1110 : vector<16xf32>
        %swap3A_1112 = arith.index_cast %add3A_1104 : i32 to index
        %swap3A_1113 = arith.constant 0 : index
        %swap3A_1114 = tpu.vector_load %arg10[%swap3A_1112, %swap3A_1113] {strides = array<i32>} : memref<80x128xf32, #tpu.memory_space<vmem>>, vector<16xf32>,
        tpu.vector_store %arg10[%swap3A_1112, %swap3A_1113], %mul3A_1111 {strides = array<i32>} : memref<80x128xf32, #tpu.memory_space<vmem>>, vector<16xf32>,
        %get3A_1115 = arith.index_cast %add3A_1104 : i32 to index
        %get3A_1116 = arith.constant 16 : index
        %get3A_1117 = tpu.vector_load %arg10[%get3A_1115, %get3A_1116] {strides = array<i32>} : memref<80x128xf32, #tpu.memory_space<vmem>>, vector<16xf32>,
        %mul3A_1118 = vector.broadcast %squeeze3A_1106 : f32 to vector<16xf32>
        %mul3A_1119 = arith.mulf %get3A_1117, %mul3A_1118 : vector<16xf32>
        %swap3A_1120 = arith.index_cast %add3A_1104 : i32 to index
        %swap3A_1121 = arith.constant 16 : index
        %swap3A_1122 = tpu.vector_load %arg10[%swap3A_1120, %swap3A_1121] {strides = array<i32>} : memref<80x128xf32, #tpu.memory_space<vmem>>, vector<16xf32>,
        tpu.vector_store %arg10[%swap3A_1120, %swap3A_1121], %mul3A_1119 {strides = array<i32>} : memref<80x128xf32, #tpu.memory_space<vmem>>, vector<16xf32>,
        %get3A_1123 = arith.index_cast %add3A_1104 : i32 to index
        %get3A_1124 = arith.constant 32 : index
        %get3A_1125 = tpu.vector_load %arg10[%get3A_1123, %get3A_1124] {strides = array<i32>} : memref<80x128xf32, #tpu.memory_space<vmem>>, vector<16xf32>,
        %mul3A_1126 = vector.broadcast %squeeze3A_1106 : f32 to vector<16xf32>
        %mul3A_1127 = arith.mulf %get3A_1125, %mul3A_1126 : vector<16xf32>
        %swap3A_1128 = arith.index_cast %add3A_1104 : i32 to index
        %swap3A_1129 = arith.constant 32 : index
        %swap3A_1130 = tpu.vector_load %arg10[%swap3A_1128, %swap3A_1129] {strides = array<i32>} : memref<80x128xf32, #tpu.memory_space<vmem>>, vector<16xf32>,
        tpu.vector_store %arg10[%swap3A_1128, %swap3A_1129], %mul3A_1127 {strides = array<i32>} : memref<80x128xf32, #tpu.memory_space<vmem>>, vector<16xf32>,
        %get3A_1131 = arith.index_cast %add3A_1104 : i32 to index
        %get3A_1132 = arith.constant 48 : index
        %get3A_1133 = tpu.vector_load %arg10[%get3A_1131, %get3A_1132] {strides = array<i32>} : memref<80x128xf32, #tpu.memory_space<vmem>>, vector<16xf32>,
        %mul3A_1134 = vector.broadcast %squeeze3A_1106 : f32 to vector<16xf32>
        %mul3A_1135 = arith.mulf %get3A_1133, %mul3A_1134 : vector<16xf32>
        %swap3A_1136 = arith.index_cast %add3A_1104 : i32 to index
        %swap3A_1137 = arith.constant 48 : index
        %swap3A_1138 = tpu.vector_load %arg10[%swap3A_1136, %swap3A_1137] {strides = array<i32>} : memref<80x128xf32, #tpu.memory_space<vmem>>, vector<16xf32>,
        tpu.vector_store %arg10[%swap3A_1136, %swap3A_1137], %mul3A_1135 {strides = array<i32>} : memref<80x128xf32, #tpu.memory_space<vmem>>, vector<16xf32>,
        %get3A_1139 = arith.index_cast %add3A_1104 : i32 to index
        %get3A_1140 = arith.constant 64 : index
        %get3A_1141 = tpu.vector_load %arg10[%get3A_1139, %get3A_1140] {strides = array<i32>} : memref<80x128xf32, #tpu.memory_space<vmem>>, vector<16xf32>,
        %mul3A_1142 = vector.broadcast %squeeze3A_1106 : f32 to vector<16xf32>
        %mul3A_1143 = arith.mulf %get3A_1141, %mul3A_1142 : vector<16xf32>
        %swap3A_1144 = arith.index_cast %add3A_1104 : i32 to index
        %swap3A_1145 = arith.constant 64 : index
        %swap3A_1146 = tpu.vector_load %arg10[%swap3A_1144, %swap3A_1145] {strides = array<i32>} : memref<80x128xf32, #tpu.memory_space<vmem>>, vector<16xf32>,
        tpu.vector_store %arg10[%swap3A_1144, %swap3A_1145], %mul3A_1143 {strides = array<i32>} : memref<80x128xf32, #tpu.memory_space<vmem>>, vector<16xf32>,
        %get3A_1147 = arith.index_cast %add3A_1104 : i32 to index
        %get3A_1148 = arith.constant 80 : index
        %get3A_1149 = tpu.vector_load %arg10[%get3A_1147, %get3A_1148] {strides = array<i32>} : memref<80x128xf32, #tpu.memory_space<vmem>>, vector<16xf32>,
        %mul3A_1150 = vector.broadcast %squeeze3A_1106 : f32 to vector<16xf32>
        %mul3A_1151 = arith.mulf %get3A_1149, %mul3A_1150 : vector<16xf32>
        %swap3A_1152 = arith.index_cast %add3A_1104 : i32 to index
        %swap3A_1153 = arith.constant 80 : index
        %swap3A_1154 = tpu.vector_load %arg10[%swap3A_1152, %swap3A_1153] {strides = array<i32>} : memref<80x128xf32, #tpu.memory_space<vmem>>, vector<16xf32>,
        tpu.vector_store %arg10[%swap3A_1152, %swap3A_1153], %mul3A_1151 {strides = array<i32>} : memref<80x128xf32, #tpu.memory_space<vmem>>, vector<16xf32>,
        %get3A_1155 = arith.index_cast %add3A_1104 : i32 to index
        %get3A_1156 = arith.constant 96 : index
        %get3A_1157 = tpu.vector_load %arg10[%get3A_1155, %get3A_1156] {strides = array<i32>} : memref<80x128xf32, #tpu.memory_space<vmem>>, vector<16xf32>,
        %mul3A_1158 = vector.broadcast %squeeze3A_1106 : f32 to vector<16xf32>
        %mul3A_1159 = arith.mulf %get3A_1157, %mul3A_1158 : vector<16xf32>
        %swap3A_1160 = arith.index_cast %add3A_1104 : i32 to index
        %swap3A_1161 = arith.constant 96 : index
        %swap3A_1162 = tpu.vector_load %arg10[%swap3A_1160, %swap3A_1161] {strides = array<i32>} : memref<80x128xf32, #tpu.memory_space<vmem>>, vector<16xf32>,
        tpu.vector_store %arg10[%swap3A_1160, %swap3A_1161], %mul3A_1159 {strides = array<i32>} : memref<80x128xf32, #tpu.memory_space<vmem>>, vector<16xf32>,
        %get3A_1163 = arith.index_cast %add3A_1104 : i32 to index
        %get3A_1164 = arith.constant 112 : index
        %get3A_1165 = tpu.vector_load %arg10[%get3A_1163, %get3A_1164] {strides = array<i32>} : memref<80x128xf32, #tpu.memory_space<vmem>>, vector<16xf32>,
        %mul3A_1166 = vector.broadcast %squeeze3A_1106 : f32 to vector<16xf32>
        %mul3A_1167 = arith.mulf %get3A_1165, %mul3A_1166 : vector<16xf32>
        %swap3A_1168 = arith.index_cast %add3A_1104 : i32 to index
        %swap3A_1169 = arith.constant 112 : index
        %swap3A_1170 = tpu.vector_load %arg10[%swap3A_1168, %swap3A_1169] {strides = array<i32>} : memref<80x128xf32, #tpu.memory_space<vmem>>, vector<16xf32>,
        tpu.vector_store %arg10[%swap3A_1168, %swap3A_1169], %mul3A_1167 {strides = array<i32>} : memref<80x128xf32, #tpu.memory_space<vmem>>, vector<16xf32>,
      }
      %scan3A_41 = arith.constant 5 : i32
      "tpu.region"() ({
        %run_scoped3A = tpu.sem_alloc : memref<!tpu.dma_semaphore, #tpu.memory_space<semaphore_mem>>
        %dma_start3A_42 = arith.constant 0 : i32
        %dma_start3A_43 = arith.constant 0 : i32
        %dma_start3A_44 = tpu.memref_slice %arg12[%dma_start3A_42, %dma_start3A_43] : memref<10240x128xf32, #tpu.memory_space<vmem_shared>> -> memref<10240x128xf32, #tpu.memory_space<vmem_shared>>
        tpu.enqueue_indirect_dma source(%arg10 : memref<80x128xf32, #tpu.memory_space<vmem>>) target(%dma_start3A_44 : memref<10240x128xf32, #tpu.memory_space<vmem_shared>>) offsets(%arg9 : memref<80xi32, #tpu.memory_space<vmem>>) semaphore(%run_scoped3A : memref<!tpu.dma_semaphore, #tpu.memory_space<semaphore_mem>>) {add = true}
        %dma_wait3A_45 = arith.constant 0 : i32
        %dma_wait3A_46 = arith.constant 0 : i32
        %dma_wait3A_47 = tpu.memref_slice %arg12[%dma_wait3A_45, %dma_wait3A_46] : memref<10240x128xf32, #tpu.memory_space<vmem_shared>> -> memref<10240x128xf32, #tpu.memory_space<vmem_shared>>
        tpu.wait_indirect_dma semaphore(%run_scoped3A : memref<!tpu.dma_semaphore, #tpu.memory_space<semaphore_mem>>) src(%arg10 : memref<80x128xf32, #tpu.memory_space<vmem>>) dst(%dma_wait3A_47 : memref<10240x128xf32, #tpu.memory_space<vmem_shared>>)
        tpu.yield
      }) : () -> ()
    }
    %scan3A_20 = arith.constant 125 : i32
    %barrier3A_21 = arith.constant 0 : index
    tpu.barrier barrier_id(%barrier3A_21)
    %mul3A_22 = arith.constant 640 : i32
    %mul3A_23 = arith.muli %arg1, %mul3A_22 : i32
    %mul3A_24 = arith.constant 640 : i32
    %mul3A_25 = arith.muli %arg1, %mul3A_24 : i32
    "tpu.region"() ({
      %run_scoped3A = tpu.sem_alloc : memref<!tpu.dma_semaphore, #tpu.memory_space<semaphore_mem>>
      %dma_start3A = arith.constant 0 : i32
      %dma_start3A_26 = tpu.memref_slice %arg6[%arg0, %mul3A_25, %dma_start3A] : memref<2x10240x128xf32, #tpu.memory_space<hbm>> -> memref<1x640x128xf32, #tpu.memory_space<hbm>>
      %dma_start3A_27 = tpu.memref_squeeze %dma_start3A_26 : memref<1x640x128xf32, #tpu.memory_space<hbm>> -> memref<640x128xf32, #tpu.memory_space<hbm>>
      %dma_start3A_28 = arith.constant 0 : i32
      %dma_start3A_29 = tpu.memref_slice %arg12[%mul3A_23, %dma_start3A_28] : memref<10240x128xf32, #tpu.memory_space<vmem_shared>> -> memref<640x128xf32, #tpu.memory_space<vmem_shared>>
      tpu.enqueue_dma source(%dma_start3A_29 : memref<640x128xf32, #tpu.memory_space<vmem_shared>>) target(%dma_start3A_27 : memref<640x128xf32, #tpu.memory_space<hbm>>) target_semaphore(%run_scoped3A : memref<!tpu.dma_semaphore, #tpu.memory_space<semaphore_mem>>)
      %dma_wait3A = arith.constant 0 : i32
      %dma_wait3A_30 = tpu.memref_slice %arg6[%arg0, %mul3A_25, %dma_wait3A] : memref<2x10240x128xf32, #tpu.memory_space<hbm>> -> memref<1x640x128xf32, #tpu.memory_space<hbm>>
      %dma_wait3A_31 = tpu.memref_squeeze %dma_wait3A_30 : memref<1x640x128xf32, #tpu.memory_space<hbm>> -> memref<640x128xf32, #tpu.memory_space<hbm>>
      %dma_wait3A_32 = arith.constant 0 : i32
      %dma_wait3A_33 = tpu.memref_slice %arg12[%mul3A_23, %dma_wait3A_32] : memref<10240x128xf32, #tpu.memory_space<vmem_shared>> -> memref<640x128xf32, #tpu.memory_space<vmem_shared>>
      tpu.wait_dma2 semaphore(%run_scoped3A : memref<!tpu.dma_semaphore, #tpu.memory_space<semaphore_mem>>) src(%dma_wait3A_33 : memref<640x128xf32, #tpu.memory_space<vmem_shared>>) dst(%dma_wait3A_31 : memref<640x128xf32, #tpu.memory_space<hbm>>)
      tpu.yield
    }) : () -> ()
    return
  }
}

module attributes {stable_mosaic.version = 14 : i64} {
  func.func @g_body(%arg0: i32, %arg1: memref<256x128xf32, #tpu.memory_space<vmem>>, %arg2: memref<128x128xf32, #tpu.memory_space<vmem>>, %arg3: memref<32x256xf32, #tpu.memory_space<vmem>>, %arg4: memref<256x128xf32, #tpu.memory_space<vmem>>) attributes {dimension_semantics = [#tpu.dimension_semantics<arbitrary>], iteration_bounds = array<i64: 40>, scalar_prefetch = 0 : i64, scratch_operands = 0 : i64, tpu.core_type = #tpu.core_type<tc>, window_params = [{transform_indices = @transform_0, window_bounds = array<i64: 256, 128>}, {pipeline_mode = #tpu.pipeline_mode<synchronous>, transform_indices = @transform_1, window_bounds = array<i64: 128, 128>}, {transform_indices = @transform_2, window_bounds = array<i64: 32, 256>}, {transform_indices = @transform_3, window_bounds = array<i64: 256, 128>}]} {
    %get3A = arith.constant 0 : index
    %get3A_0 = arith.constant 0 : index
    %get3A_1 = vector.load %arg1[%get3A, %get3A_0] : memref<256x128xf32, #tpu.memory_space<vmem>>, vector<256x128xf32>
    %get3A_2 = arith.constant 0 : index
    %get3A_3 = arith.constant 0 : index
    %get3A_4 = vector.load %arg2[%get3A_2, %get3A_3] : memref<128x128xf32, #tpu.memory_space<vmem>>, vector<128x128xf32>
    %dot_general3A = arith.constant dense<0.000000e+00> : vector<256x128xf32>
    %dot_general3A_5 = tpu.matmul %get3A_1, %get3A_4, %dot_general3A {dimension_numbers = #tpu.dot_dimension_numbers<[1], [1], [0], [0], [0, 0, 1, 0], [], []>, transpose_lhs_hint = false} : vector<256x128xf32>, vector<128x128xf32>, vector<256x128xf32> -> vector<256x128xf32>
    %get3A_6 = arith.constant 0 : index
    %get3A_7 = arith.constant 0 : index
    %get3A_8 = vector.load %arg3[%get3A_6, %get3A_7] : memref<32x256xf32, #tpu.memory_space<vmem>>, vector<32x256xf32>
    %reduce_sum3A = arith.constant dense<0.000000e+00> : vector<256xf32>
    %reduce_sum3A_9 = vector.multi_reduction <add>, %get3A_8, %reduce_sum3A [0] : vector<32x256xf32> to vector<256xf32>
    %add3A = arith.constant 1.000000e+00 : f32
    %add3A_10 = vector.broadcast %add3A : f32 to vector<256xf32>
    %add3A_11 = arith.addf %reduce_sum3A_9, %add3A_10 : vector<256xf32>
    %rsqrt3A = math.rsqrt %add3A_11 : vector<256xf32>
    %broadcast_in_dim3A = vector.shape_cast %rsqrt3A : vector<256xf32> to vector<256x1xf32>
    %mul3A = vector.broadcast %broadcast_in_dim3A : vector<256x1xf32> to vector<256x128xf32>
    %mul3A_12 = arith.mulf %dot_general3A_5, %mul3A : vector<256x128xf32>
    %swap3A = arith.constant 0 : index
    %swap3A_13 = arith.constant 0 : index
    %swap3A_14 = vector.load %arg4[%swap3A, %swap3A_13] : memref<256x128xf32, #tpu.memory_space<vmem>>, vector<256x128xf32>
    tpu.vector_store %arg4[%swap3A, %swap3A_13], %mul3A_12 {strides = array<i32>} : memref<256x128xf32, #tpu.memory_space<vmem>>, vector<256x128xf32>,
    return
  }
  func.func @transform_0(%arg0: i32) -> (i32, i32) {
    %c0_i32 = arith.constant 0 : i32
    %c0_i32_0 = arith.constant 0 : i32
    return %arg0, %c0_i32 : i32, i32
  }
  func.func @transform_1(%arg0: i32) -> (i32, i32) {
    %c0_i32 = arith.constant 0 : i32
    %c0_i32_0 = arith.constant 0 : i32
    %c0_i32_1 = arith.constant 0 : i32
    return %c0_i32, %c0_i32_0 : i32, i32
  }
  func.func @transform_2(%arg0: i32) -> (i32, i32) {
    %c0_i32 = arith.constant 0 : i32
    %c0_i32_0 = arith.constant 0 : i32
    return %c0_i32, %arg0 : i32, i32
  }
  func.func @transform_3(%arg0: i32) -> (i32, i32) {
    %c0_i32 = arith.constant 0 : i32
    %c0_i32_0 = arith.constant 0 : i32
    return %arg0, %c0_i32 : i32, i32
  }
}

module attributes {stable_mosaic.version = 14 : i64} {
  func.func @out_body(%arg0: i32, %arg1: memref<2x256x128xf32, #tpu.memory_space<vmem>>, %arg2: memref<256x128xf32, #tpu.memory_space<vmem>>, %arg3: memref<32x256xf32, #tpu.memory_space<vmem>>, %arg4: memref<1x128xf32, #tpu.memory_space<vmem>>, %arg5: memref<256x128xf32, #tpu.memory_space<vmem>>) attributes {dimension_semantics = [#tpu.dimension_semantics<arbitrary>], iteration_bounds = array<i64: 40>, scalar_prefetch = 0 : i64, scratch_operands = 0 : i64, tpu.core_type = #tpu.core_type<tc>, window_params = [{transform_indices = @transform_0, window_bounds = array<i64: 2, 256, 128>}, {transform_indices = @transform_1, window_bounds = array<i64: 256, 128>}, {transform_indices = @transform_2, window_bounds = array<i64: 32, 256>}, {pipeline_mode = #tpu.pipeline_mode<synchronous>, transform_indices = @transform_3, window_bounds = array<i64: 1, 128>}, {transform_indices = @transform_4, window_bounds = array<i64: 256, 128>}]} {
    %get3A = arith.constant 0 : index
    %get3A_0 = arith.constant 0 : index
    %get3A_1 = vector.load %arg3[%get3A, %get3A_0] : memref<32x256xf32, #tpu.memory_space<vmem>>, vector<32x256xf32>
    %reduce_sum3A = arith.constant dense<0.000000e+00> : vector<256xf32>
    %reduce_sum3A_2 = vector.multi_reduction <add>, %get3A_1, %reduce_sum3A [0] : vector<32x256xf32> to vector<256xf32>
    %add3A = arith.constant 1.000000e+00 : f32
    %add3A_3 = vector.broadcast %add3A : f32 to vector<256xf32>
    %add3A_4 = arith.addf %reduce_sum3A_2, %add3A_3 : vector<256xf32>
    %rsqrt3A = math.rsqrt %add3A_4 : vector<256xf32>
    %broadcast_in_dim3A = vector.shape_cast %rsqrt3A : vector<256xf32> to vector<256x1xf32>
    %get3A_5 = arith.constant 0 : index
    %get3A_6 = arith.constant 0 : index
    %get3A_7 = arith.constant 0 : index
    %get3A_8 = vector.load %arg1[%get3A_5, %get3A_6, %get3A_7] : memref<2x256x128xf32, #tpu.memory_space<vmem>>, vector<1x256x128xf32>
    %get3A_9 = vector.shape_cast %get3A_8 : vector<1x256x128xf32> to vector<256x128xf32>
    %get3A_10 = arith.constant 1 : index
    %get3A_11 = arith.constant 0 : index
    %get3A_12 = arith.constant 0 : index
    %get3A_13 = vector.load %arg1[%get3A_10, %get3A_11, %get3A_12] : memref<2x256x128xf32, #tpu.memory_space<vmem>>, vector<1x256x128xf32>
    %get3A_14 = vector.shape_cast %get3A_13 : vector<1x256x128xf32> to vector<256x128xf32>
    %add3A_15 = arith.addf %get3A_9, %get3A_14 : vector<256x128xf32>
    %get3A_16 = arith.constant 0 : index
    %get3A_17 = arith.constant 0 : index
    %get3A_18 = vector.load %arg2[%get3A_16, %get3A_17] : memref<256x128xf32, #tpu.memory_space<vmem>>, vector<256x128xf32>
    %add3A_19 = arith.addf %add3A_15, %get3A_18 : vector<256x128xf32>
    %mul3A = vector.broadcast %broadcast_in_dim3A : vector<256x1xf32> to vector<256x128xf32>
    %mul3A_20 = arith.mulf %mul3A, %add3A_19 : vector<256x128xf32>
    %get3A_21 = arith.constant 0 : index
    %get3A_22 = arith.constant 0 : index
    %get3A_23 = vector.load %arg4[%get3A_21, %get3A_22] : memref<1x128xf32, #tpu.memory_space<vmem>>, vector<1x128xf32>
    %add3A_24 = vector.broadcast %get3A_23 : vector<1x128xf32> to vector<256x128xf32>
    %add3A_25 = arith.addf %mul3A_20, %add3A_24 : vector<256x128xf32>
    %swap3A = arith.constant 0 : index
    %swap3A_26 = arith.constant 0 : index
    %swap3A_27 = vector.load %arg5[%swap3A, %swap3A_26] : memref<256x128xf32, #tpu.memory_space<vmem>>, vector<256x128xf32>
    tpu.vector_store %arg5[%swap3A, %swap3A_26], %add3A_25 {strides = array<i32>} : memref<256x128xf32, #tpu.memory_space<vmem>>, vector<256x128xf32>,
    return
  }
  func.func @transform_0(%arg0: i32) -> (i32, i32, i32) {
    %c0_i32 = arith.constant 0 : i32
    %c0_i32_0 = arith.constant 0 : i32
    %c0_i32_1 = arith.constant 0 : i32
    return %c0_i32, %arg0, %c0_i32_0 : i32, i32, i32
  }
  func.func @transform_1(%arg0: i32) -> (i32, i32) {
    %c0_i32 = arith.constant 0 : i32
    %c0_i32_0 = arith.constant 0 : i32
    return %arg0, %c0_i32 : i32, i32
  }
  func.func @transform_2(%arg0: i32) -> (i32, i32) {
    %c0_i32 = arith.constant 0 : i32
    %c0_i32_0 = arith.constant 0 : i32
    return %c0_i32, %arg0 : i32, i32
  }
  func.func @transform_3(%arg0: i32) -> (i32, i32) {
    %c0_i32 = arith.constant 0 : i32
    %c0_i32_0 = arith.constant 0 : i32
    %c0_i32_1 = arith.constant 0 : i32
    return %c0_i32, %c0_i32_0 : i32, i32
  }
  func.func @transform_4(%arg0: i32) -> (i32, i32) {
    %c0_i32 = arith.constant 0 : i32
    %c0_i32_0 = arith.constant 0 : i32
    return %arg0, %c0_i32 : i32, i32
  }
}

</mosaic_0001>

<sc_bundles>
// kernel: kernel.6.cloned.1.call-start
scs
__scs_entry_jumppad:
0x0: {  	(pc) =	sbr.rel $0x88, $3  }
0x1: {  	(tag) =	ssettag $0x0;
	lr =	simm.s32 $0x1  }
0x2: {  	[smem:$0x3F9C] =	sst lr;
	_ =	strace $0xD0000000  }
0x3: {  	_ = 	snop  }
0x4: {  	_ = 	snop  }
0x5: {  	_ = 	snop  }
0x6: {  	_ = 	snop  }
0x7: {  	_ = 	snop  }
__scs_overlays_trampoline_lowered:
0x8: {  	[smem:$0x3FAB] =	sst s0  }
0x9: {  	[smem:$0x3FAC] =	sst s1  }
0xa: {  	[smem:$0x3FAD] =	sst s2  }
0xb: {  	[smem:$0x3FAE] =	sst s3  }
0xc: {  	[smem:$0x3FAF] =	sst s4  }
0xd: {  	[smem:$0x3FB0] =	sst s5  }
0xe: {  	[smem:$0x3FB1] =	sst s6  }
0xf: {  	[smem:$0x3FB2] =	sst s7  }
0x10: {  	[smem:$0x3FB3] =	sst s8  }
0x11: {  	[smem:$0x3FB4] =	sst s9;
	s0 =	simm.s32 @!p0 $0x0  }
0x12: {  	s1 =	sld [smem:$0x3F9A];
	s0 =	simm.s32 @p0 $0x1  }
0x13: {  	[smem:$0x3FB5] =	sst s0;
	s0 =	simm.s32 @!p1 $0x0  }
0x14: {  	s2 =	sld [smem:$0x3F99];
	s0 =	simm.s32 @p1 $0x1  }
0x15: {  	[smem:$0x3FB6] =	sst s0;
	s0 =	simm.s32 @!p2 $0x0  }
0x16: {  	s3 =	sld [smem:$0x3FDB];
	s0 =	simm.s32 @p2 $0x1  }
0x17: {  	s4 =	simm.s32 $0x1BF5;
	[smem:$0x3FB8] =	sst s0  }
0x18: {  	s0 =	sld [smem:$0x3F9B];
	_ =	swait.ge [sflag:s4], $0x0  }
0x19: {  	s7 =	sld [smem:$0x3F9C]  }
0x1a: {  	s8 =	sadd.s32 $0xFFFFE003, lr  }
0x1b: {  	s9 =	sadd.s32 $0xFFFFFEF7, lr;
	s5 =	simm.s32 $0xFFFFFFFF;
	p2 =	slt.u32 s8, $0xFFFFF086  }
0x1c: {  	p1 =	slt.u32 s9, $0xF7A;
	s5 =	simm.s32 @!p2 $0x0  }
0x1d: {  	s5 =	simm.s32 @p1 $0x1;
	p0 =	seq.s32 s7, s2  }
0x1e: {  	s7 =	smul.u32 @!p0 $0xF7A, s2;
	p2 =	seq.s32 @!p0 s5, $0x0  }
0x1f: {  	s9 =	smul.u32 $0xF7A, s1;
	s8 =	simm.s32 @!p0 $0x1BF5;
	p2 =	por !p2, p0  }
0x20: {  	[sflag:s8] =	ssyncset.s32 @!p0 $0xFFFFF086;
	s6 =	sadd.s32 @!p0 s3, s7;
	s7 =	simm.s32 @!p0 $0x108  }
0x21: {  	s3 =	sadd.s32 s3, s9;
	s6 =	sadd.s32 @!p0 $0x88, s6;
	s7 =	simm.s32 @p2 $0x1082  }
0x22: {  	[simem:s7], [sflag:s8] =	dma.local @!p0 [hbm:s6], $0xF7A  }
0x23: {  	s9 =	sor.u32 $0xD0000000, s2;
	s6 =	simm.s32 $0x108;
	_ =	swait.ge @!p0 [sflag:s8], $0x0  }
0x24: {  	s3 =	sadd.s32 $0x88, s3;
	s6 =	simm.s32 @!p1 $0x1082;
	[sflag:s4] =	ssyncset.s32 $0xFFFFF086  }
0x25: {  	[simem:s6], [sflag:s4] =	dma.local [hbm:s3], $0xF7A  }
0x26: {  	[smem:$0x3F9C] =	sst s1;
	(tag) =	ssettag s2;
	_ =	strace s9  }
0x27: {  	s1 =	sld [smem:$0x3FAC]  }
0x28: {  	s2 =	sld [smem:$0x3FAD]  }
0x29: {  	s4 =	sld [smem:$0x3FAF]  }
0x2a: {  	p0 =	seq.s32 s5, $0x0;
	s5 =	sld [smem:$0x3FB0]  }
0x2b: {  	s6 =	sld [smem:$0x3FB1]  }
0x2c: {  	s7 =	sld [smem:$0x3FB2]  }
0x2d: {  	s3 =	simm.s32 $0x108;
	s8 =	sld [smem:$0x3FB3]  }
0x2e: {  	s3 =	simm.s32 @!p0 $0x1082;
	s9 =	sld [smem:$0x3FB4]  }
0x2f: {  	lr =	sadd.s32 s0, s3;
	s0 =	sld [smem:$0x3FAB]  }
0x30: {  	s3 =	sld [smem:$0x3FAE]  }
0x31: {  	[smem:$0x3FB7] =	sst s10  }
0x32: {  	s10 =	sld [smem:$0x3FB5];
	_ =	sdelay $0x3  }
0x33: {  	p0 =	seq.s32 s10, $0x1;
	s10 =	sld [smem:$0x3FB7];
	_ =	sdelay $0x3  }
0x34: {  	[smem:$0x3FB7] =	sst s10  }
0x35: {  	s10 =	sld [smem:$0x3FB6];
	_ =	sdelay $0x3  }
0x36: {  	p1 =	seq.s32 s10, $0x1;
	s10 =	sld [smem:$0x3FB7];
	_ =	sdelay $0x3  }
0x37: {  	[smem:$0x3FB7] =	sst s10  }
0x38: {  	s10 =	sld [smem:$0x3FB8]  }
0x39: {  	_ = 	snop;
	(pc) =	sbr.ind lr, $3  }
0x3a: {  	_ = 	snop  }
0x3b: {  	_ = 	snop  }
0x3c: {  	p2 =	seq.s32 s10, $0x1;
	s10 =	sld [smem:$0x3FB7]  }
0x3d: {  	_ =	shalt  }
0x3e: {  	_ =	shalt  }
0x3f: {  	_ =	shalt  }
0x40: {  	_ =	shalt  }
0x41: {  	_ =	shalt  }
0x42: {  	_ =	shalt  }
0x43: {  	_ =	shalt  }
0x44: {  	_ =	shalt  }
0x45: {  	_ =	shalt  }
0x46: {  	_ =	shalt  }
0x47: {  	_ =	shalt  }
0x48: {  	_ =	shalt  }
0x49: {  	_ =	shalt  }
0x4a: {  	_ =	shalt  }
0x4b: {  	_ =	shalt  }
0x4c: {  	_ =	shalt  }
0x4d: {  	_ =	shalt  }
0x4e: {  	_ =	shalt  }
0x4f: {  	_ =	shalt  }
0x50: {  	_ =	shalt  }
0x51: {  	_ =	shalt  }
0x52: {  	_ =	shalt  }
0x53: {  	_ =	shalt  }
0x54: {  	_ =	shalt  }
0x55: {  	_ =	shalt  }
0x56: {  	_ =	shalt  }
0x57: {  	_ =	shalt  }
0x58: {  	_ =	shalt  }
0x59: {  	_ =	shalt  }
0x5a: {  	_ =	shalt  }
0x5b: {  	_ =	shalt  }
0x5c: {  	_ =	shalt  }
0x5d: {  	_ =	shalt  }
0x5e: {  	_ =	shalt  }
0x5f: {  	_ =	shalt  }
0x60: {  	_ =	shalt  }
0x61: {  	_ =	shalt  }
0x62: {  	_ =	shalt  }
0x63: {  	_ =	shalt  }
0x64: {  	_ =	shalt  }
0x65: {  	_ =	shalt  }
0x66: {  	_ =	shalt  }
0x67: {  	_ =	shalt  }
0x68: {  	_ =	shalt  }
0x69: {  	_ =	shalt  }
0x6a: {  	_ =	shalt  }
0x6b: {  	_ =	shalt  }
0x6c: {  	_ =	shalt  }
0x6d: {  	_ =	shalt  }
0x6e: {  	_ =	shalt  }
0x6f: {  	_ =	shalt  }
0x70: {  	_ =	shalt  }
0x71: {  	_ =	shalt  }
0x72: {  	_ =	shalt  }
0x73: {  	_ =	shalt  }
0x74: {  	_ =	shalt  }
0x75: {  	_ =	shalt  }
0x76: {  	_ =	shalt  }
0x77: {  	_ =	shalt  }
0x78: {  	_ =	shalt  }
0x79: {  	_ =	shalt  }
0x7a: {  	_ =	shalt  }
0x7b: {  	_ =	shalt  }
0x7c: {  	_ =	shalt  }
0x7d: {  	_ =	shalt  }
0x7e: {  	_ =	shalt  }
0x7f: {  	_ =	shalt  }
0x80: {  	_ =	shalt  }
0x81: {  	_ =	shalt  }
0x82: {  	_ =	shalt  }
0x83: {  	_ =	shalt  }
0x84: {  	_ =	shalt  }
0x85: {  	_ =	shalt  }
0x86: {  	_ =	shalt  }
0x87: {  	_ =	shalt  }
.Lfunc_end0:
.L_simem_size_0:
called_computation_lowered:
.L_overlay_start_0:
0x88: {  	s2 =	sld [smem:$0x3FD9]  }
0x89: {  	s3 =	sld [smem:$0x3FFE];
	_ =	sdelay $0x1  }
0x8a: {  	s1 =	srdreg.scid  }
0x8b: {  	s0 =	sand.u32 $0x1, s1  }
0x8c: {  	s17 =	sshll.u32 s0, $0xA;
	s2 =	sadd.s32 s3, s2  }
0x8d: {  	s2 =	sadd.s32 s2, s17  }
0x8e: {  	[smem:$0x3FC3] =	sst s2  }
0x8f: {  	_ = 	snop  }
0x90: {  	s2 =	sld [smem:$0x3FC7]  }
0x91: {  	s18 =	sld [smem:$0x3FD0];
	(tm) =	ssettm $0x1  }
0x92: {  	s4 =	sld [smem:$0x3FFB];
	_ =	sdelay $0x3  }
0x93: {  	_ =	strace s4  }
0x94: {  	s4 =	sld [smem:$0x3FFC];
	_ =	sdelay $0x3  }
0x95: {  	_ =	strace s4  }
0x96: {  	s4 =	sld [smem:$0x3FFD];
	_ =	sdelay $0x3  }
0x97: {  	_ =	strace s4  }
0x98: {  	_ =	strace $0x8FFFFFFF  }
0x99: {  	s19 =	sld [smem:$0x3FDB];
	_ =	sdelay $0x1  }
0x9a: {  	s5 =	simm.s32 $_scs_section_size  }
0x9b: {  	s6 =	simm.s32 $_size__tile_overlayer_lowered;
	s7 =	simm.s32 $_tile_overlayer_lowered  }
0x9c: {  	s22 =	simm.s32 $0x1BFF;
	s21 =	sshll.u32 s7, $0x1;
	s4 =	sadd.s32 s5, s19  }
0x9d: {  	s8 =	simm.s32 $0x0;
	s20 =	sshll.u32 s6, $0x1;
	s6 =	sadd.s32 s21, s4  }
0x9e: {  	[timem:s8], [sflag:s22] =	dma.local [hbm:s6], s20  }
0x9f: {  	_ =	swait.ge [sflag:s22], s20  }
0xa0: {  	s5 =	ssub.s32 $0x0, s20;
	[sflag:s22] =	ssyncset.done $0x0  }
0xa1: {  	[sflag:s22] =	ssyncadd.s32 s5;
	_ =	sdelay $0x1  }
0xa2: {  	s23 =	simm.s32 $0x1B8B  }
0xa3: {  	_ =	swait.ge [sflag:s23], $0x1  }
0xa4: {  	[sflag:s23] =	ssyncset.done $0x0  }
0xa5: {  	s25 =	simm.s32 $0x1B8E;
	s24 =	sld [smem:$0x3FFE];
	[sflag:s23] =	ssyncadd.s32 $0xFFFFFFFF  }
0xa6: {  	s26 =	simm.s32 $execute0_lowered;
	[smem:$0x3FD2] =	sst s25  }
0xa7: {  	s6 =	sshll.u32 s26, $0x1;
	_ =	strace $0x80000046;
	[dreg:$0x1] =	wrdreg $0xFFFFFFFF  }
0xa8: {  	s28 =	simm.s32 $_size_execute0_lowered;
	s4 =	sadd.s32 s4, s6;
	[dreg:$0x0] =	wrdreg $0x0  }
0xa9: {  	s6 =	sshll.u32 s28, $0x1;
	[dreg:$0x2] =	wrdreg s4  }
0xaa: {  	[dreg:$0x3] =	wrdreg s6  }
0xab: {  	[dreg:$0x4] =	wrdreg $0xC0  }
0xac: {  	_ =	task [dreg:s8], $0x5FFFF  }
0xad: {  	[dreg:$0x1] =	wrdreg $0xFFFFFFFF  }
0xae: {  	[dreg:$0x0] =	wrdreg $0x60  }
0xaf: {  	[dreg:$0x2] =	wrdreg s24  }
0xb0: {  	[dreg:$0x3] =	wrdreg s2  }
0xb1: {  	[dreg:$0x4] =	wrdreg s18  }
0xb2: {  	[dreg:$0x5] =	wrdreg $0x9  }
0xb3: {  	_ =	task.clear_ibuf [dreg:s8], $0x6FFFF;
	_ =	strace $0x90000046  }
0xb4: {  	s29 =	simm.s32 $0x9;
	_ =	strace $0x80000048  }
0xb5: {  	_ =	swait.ge [sflag:s29], $0x1  }
0xb6: {  	[sflag:s29] =	ssyncadd.s32 $0xFFFFFFFF  }
0xb7: {  	_ =	strace $0x90000048  }
0xb8: {  	_ =	sfence  }
0xb9: {  	s30 =	sld [smem:$0x0];
	_ =	sdelay $0x2  }
0xba: {  	s31 =	sshll.u32 s1, $0xD;
	s1 =	sshrl.u32 s1, $0x2  }
0xbb: {  	s3 =	sand.u32 $0x4000, s31;
	s1 =	sadd.s32 s1, s30  }
0xbc: {  	s0 =	sor.u32 s3, s0;
	s1 =	sshll.u32 s1, $0x11  }
0xbd: {  	s0 =	sor.u32 s1, s0  }
0xbe: {  	s0 =	sadd.s32 $0x8F2B, s0  }
0xbf: {  	[sflag:s0] =	ssyncadd.remote.s32 $0x1  }
0xc0: {  	_ =	sfence.sel $0xFFFF  }
0xc1: {  	[dreg:$0x0] =	wrdreg $0xFFFFFFFF;
	(pc) =	sbr.abs _section_cstart, $3  }
0xc2: {  	[dreg:$0x1] =	wrdreg $0xFFFFFFFF  }
0xc3: {  	_ =	task.clear_ibuf [dreg:s8], $0x2FFFF;
	_ =	strace $0x9FFFFFFF  }
0xc4: {  	(tm) =	ssettm $0x7FFFFFFF  }
0xc5: {  	_ =	shalt  }
tec
execute0_lowered:
.L_overlay_start_1:
0x0: {  	(tag) =	ssettag $0x1  }
0x1: {  	s3 =	rddreg [dreg:$0x0]  }
0x2: {  	s4 =	rddreg [dreg:$0x1];
	s1 =	srdreg.scid  }
0x3: {  	s0 =	stileid.u32;
	s5 =	rddreg [dreg:$0x2];
	s11 =	simm.s32 $0x400  }
0x4: {  	s12 =	simm.s32 $0x0;
	s6 =	sand.u32 $0x1, s1;
	s2 =	sshll.u32 s0, $0x1  }
0x5: {  	s1 =	rddreg [dreg:$0x3];
	s9 =	sshrl.u32 s0, $0x2;
	s7 =	sor.u32 s6, s2  }
0x6: {  	s2 =	simm.s32 $0x0;
	s9 =	smul.u32 $0x14000, s9;
	s6 =	ssub.s32 $0x2, s6  }
0x7: {  	s8 =	smul.u32 $0x4E2, s7;
	[smem:$0x7FF] =	sst s2;
	s7 =	sshll.u32 s7, $0x7  }
0x8: {  	s10 =	sshrl.u32 s6, $0x1;
	_ =	strace $0x80000047;
	s7 =	sand.u32 $0x380, s7  }
0x9: {  	s6 =	ssub.s32 s6, s10;
	s10 =	simm.s32 $0x80;
	s3 =	sadd.s32 s8, s3  }
0xa: {  	s7 =	sor.u32 s9, s7;
	s4 =	sadd.s32 s4, s8;
	s6 =	smax.u32 s6, $0x1  }
0xb: {  	s8 =	simm.s32 $0x1;
	s9 =	simm.s32 $0x4F80;
	s7 =	sshrl.u32 s7, $0x3  }
0xc: {  	v0 =	vimm.f32 $0.0e+00;
	s3 =	sadd.s32 $0xB800, s3;
	s5 =	sadd.s32 s5, s7;
	s7 =	simm.s32 $0x2800  }
.LBB2_1:
0xd: {  	s13 =	simm.s32 $0x40;
	s14 =	simm.s32 $0x0  }
.LBB2_2:
0xe: {  	p0 =	sne.s32 s13, $0x9FC0;
	[tilespmem:s14+$0x0] =	vst v0;
	s14 =	smov.u32 s13;
	s13 =	sadd.s32 $0x40, s13  }
.Ltmp0:
0xf: {  	(pc) =	sbr.rel @p0 .LBB2_2-.Ltmp0, $2  }
0x10: {  	_ =	sdelay $0x2  }
0x11: {  	s14 =	sshra.s32 s14, $0x2  }
0x12: {  	[tilespmem:s14+$0x0] =	vst v0;
	s13 =	simm.s32 $0x0  }
0x13: {  	[tilespmem:s7], [sflag:$0x1] =	stream.linear.gather [hbm4b:s3+s13], $0x2710, $0x38;
	[tilespmem:$0x7700] =	vst v63  }
0x14: {  	_ =	swait.ge [sflag:s8], $0x2710  }
0x15: {  	[sflag:s8] =	ssyncset.done $0x0  }
0x16: {  	[sflag:s8] =	ssyncadd.s32 $0xFFFFD8F0  }
0x17: {  	[tilespmem:s9], [sflag:$0x1] =	stream.linear.gather [hbm4b:s4+s13], $0x2710, $0x38;
	[tilespmem:$0x7700] =	vst v63  }
0x18: {  	_ =	swait.ge [sflag:s8], $0x2710  }
0x19: {  	[sflag:s8] =	ssyncset.done $0x0  }
0x1a: {  	s14 =	simm.s32 $0x0;
	s13 =	simm.s32 $0x40;
	[sflag:s8] =	ssyncadd.s32 $0xFFFFD8F0  }
.LBB2_4:
0x1b: {  	p0 =	sne.s32 s13, $0x9C00;
	v1 =	vld [tilespmem:s14+$0x4F80];
	_ =	sdelay $0x4  }
0x1c: {  	v1 =	vsub.f32 $0.0e+00, v1;
	_ =	sdelay $0x1  }
0x1d: {  	v1 =	vmul.f32 $1.442695020e+00, v1;
	_ =	sdelay $0x1  }
0x1e: {  	(erf) = vpow2.f32 v1;
	_ =	sdelay $0x8  }
0x1f: {  	v1 =	vpop (erf)  }
0x20: {  	v1 =	vadd.f32 $1.000000000e+00, v1;
	_ =	sdelay $0x1  }
0x21: {  	(erf) = vrcp.f32 v1;
	_ =	sdelay $0x1  }
0x22: {  	v1 =	vld [tilespmem:s14+$0x2800];
	_ =	sdelay $0x3  }
.Ltmp1:
0x23: {  	(pc) =	sbr.rel @p0 .LBB2_4-.Ltmp1, $3  }
0x24: {  	_ =	sdelay $0x1  }
0x25: {  	v2 =	vpop (erf)  }
0x26: {  	s14 =	sshra.s32 s13, $0x2;
	s13 =	sadd.s32 $0x40, s13;
	[tilespmem:v1+s2+$0x0] =	vst.idx.add.f32.msk $0xffff, v2  }
0x27: {  	v1 =	vld [tilespmem:s14+$0x4F80];
	_ =	sdelay $0x4  }
0x28: {  	v1 =	vsub.f32 $0.0e+00, v1;
	_ =	sdelay $0x1  }
0x29: {  	v1 =	vmul.f32 $1.442695020e+00, v1;
	_ =	sdelay $0x1  }
0x2a: {  	(erf) = vpow2.f32 v1;
	_ =	sdelay $0x8  }
0x2b: {  	v1 =	vpop (erf)  }
0x2c: {  	v1 =	vadd.f32 $1.000000000e+00, v1;
	_ =	sdelay $0x1  }
0x2d: {  	(erf) = vrcp.f32 v1;
	_ =	sdelay $0x1  }
0x2e: {  	v1 =	vld [tilespmem:s14+$0x2800];
	_ =	sdelay $0x5  }
0x2f: {  	s12 =	sadd.s32 $0x1, s12  }
0x30: {  	p0 =	sne.s32 s12, s6;
	v2 =	vpop (erf)  }
.Ltmp2:
0x31: {  	[tilespmem:v1+s2+$0x0] =	vst.idx.add.f32.msk $0xffff, v2;
	(pc) =	sbr.rel @p0 .LBB2_1-.Ltmp2, $4  }
0x32: {  	[hbm4b:s5+s10] =	stream.strided.scatter [tilespmem:s2], [sflag:$0x1], $0x2800, s11, s10, $0x38;
	[tilespmem:$0x7700] =	vst v63  }
0x33: {  	_ =	swait.ge [sflag:s8], $0x2800  }
0x34: {  	[sflag:s8] =	ssyncset.done $0x0  }
0x35: {  	[sflag:s8] =	ssyncadd.s32 $0xFFFFD800  }
0x36: {  	_ =	sfence.sel $0x180000  }
0x37: {  	[bflag:$0x0] =	sbarrier.arrive $0xFFFF  }
0x38: {  	p0 =	sne.s32 s0, $0x0;
	_ =	strace $0x90000047  }
0x39: {  	s0 =	sadd.s32 @!p0 $0x100000, s1;
	[bflag:$0x2] =	sbarrier.arrive $0xFFFF  }
0x3a: {  	[sflag:s0] =	ssyncadd.tile.s32 @!p0 $0x1;
	_ =	shalt  }
.Lfunc_end2:
_tile_overlayer_lowered:
.L_overlay_start_2:
0x3b: {  	(tag) =	ssettag $0x2  }
0x3c: {  	s0 =	rddreg [dreg:$0x0];
	s2 =	stileid.u32  }
0x3d: {  	s1 =	rddreg [dreg:$0x1];
	p0 =	sne.s32 s2, $0x0  }
0x3e: {  	s3 =	rddreg [dreg:$0x2];
	[bflag:$0x3] =	sbarrier.arrive $0xFFFF;
	s2 =	simm.s32 @!p0 $0x1C01  }
0x3f: {  	[timem:s3], [sflag:s2] =	dma.local @!p0 [hbm:s0], s1  }
0x40: {  	s0 =	simm.s32 @!p0 $0x1  }
0x41: {  	_ =	swait.ge @!p0 [sflag:s0], s1  }
0x42: {  	s1 =	ssub.s32 @!p0 $0x0, s1;
	[sflag:s0] =	ssyncset.done @!p0 $0x0  }
0x43: {  	[sflag:s0] =	ssyncadd.s32 @!p0 s1  }
0x44: {  	[bflag:$0x3] =	sbarrier.arrive $0xFFFF  }
0x45: {  	_ =	shalt  }

// kernel: kernel.9.cloned.1.call-start
scs
__scs_entry_jumppad:
0x0: {  	(pc) =	sbr.rel $0x88, $3  }
0x1: {  	(tag) =	ssettag $0x0;
	lr =	simm.s32 $0x1  }
0x2: {  	[smem:$0x3F9C] =	sst lr;
	_ =	strace $0xD0000000  }
0x3: {  	_ = 	snop  }
0x4: {  	_ = 	snop  }
0x5: {  	_ = 	snop  }
0x6: {  	_ = 	snop  }
0x7: {  	_ = 	snop  }
__scs_overlays_trampoline_lowered:
0x8: {  	[smem:$0x3FAB] =	sst s0  }
0x9: {  	[smem:$0x3FAC] =	sst s1  }
0xa: {  	[smem:$0x3FAD] =	sst s2  }
0xb: {  	[smem:$0x3FAE] =	sst s3  }
0xc: {  	[smem:$0x3FAF] =	sst s4  }
0xd: {  	[smem:$0x3FB0] =	sst s5  }
0xe: {  	[smem:$0x3FB1] =	sst s6  }
0xf: {  	[smem:$0x3FB2] =	sst s7  }
0x10: {  	[smem:$0x3FB3] =	sst s8  }
0x11: {  	[smem:$0x3FB4] =	sst s9;
	s0 =	simm.s32 @!p0 $0x0  }
0x12: {  	s1 =	sld [smem:$0x3F9A];
	s0 =	simm.s32 @p0 $0x1  }
0x13: {  	[smem:$0x3FB5] =	sst s0;
	s0 =	simm.s32 @!p1 $0x0  }
0x14: {  	s2 =	sld [smem:$0x3F99];
	s0 =	simm.s32 @p1 $0x1  }
0x15: {  	[smem:$0x3FB6] =	sst s0;
	s0 =	simm.s32 @!p2 $0x0  }
0x16: {  	s3 =	sld [smem:$0x3FDB];
	s0 =	simm.s32 @p2 $0x1  }
0x17: {  	s4 =	simm.s32 $0x1BF5;
	[smem:$0x3FB8] =	sst s0  }
0x18: {  	s0 =	sld [smem:$0x3F9B];
	_ =	swait.ge [sflag:s4], $0x0  }
0x19: {  	s7 =	sld [smem:$0x3F9C]  }
0x1a: {  	s8 =	sadd.s32 $0xFFFFE003, lr  }
0x1b: {  	s9 =	sadd.s32 $0xFFFFFEF7, lr;
	s5 =	simm.s32 $0xFFFFFFFF;
	p2 =	slt.u32 s8, $0xFFFFF086  }
0x1c: {  	p1 =	slt.u32 s9, $0xF7A;
	s5 =	simm.s32 @!p2 $0x0  }
0x1d: {  	s5 =	simm.s32 @p1 $0x1;
	p0 =	seq.s32 s7, s2  }
0x1e: {  	s7 =	smul.u32 @!p0 $0xF7A, s2;
	p2 =	seq.s32 @!p0 s5, $0x0  }
0x1f: {  	s9 =	smul.u32 $0xF7A, s1;
	s8 =	simm.s32 @!p0 $0x1BF5;
	p2 =	por !p2, p0  }
0x20: {  	[sflag:s8] =	ssyncset.s32 @!p0 $0xFFFFF086;
	s6 =	sadd.s32 @!p0 s3, s7;
	s7 =	simm.s32 @!p0 $0x108  }
0x21: {  	s3 =	sadd.s32 s3, s9;
	s6 =	sadd.s32 @!p0 $0x88, s6;
	s7 =	simm.s32 @p2 $0x1082  }
0x22: {  	[simem:s7], [sflag:s8] =	dma.local @!p0 [hbm:s6], $0xF7A  }
0x23: {  	s9 =	sor.u32 $0xD0000000, s2;
	s6 =	simm.s32 $0x108;
	_ =	swait.ge @!p0 [sflag:s8], $0x0  }
0x24: {  	s3 =	sadd.s32 $0x88, s3;
	s6 =	simm.s32 @!p1 $0x1082;
	[sflag:s4] =	ssyncset.s32 $0xFFFFF086  }
0x25: {  	[simem:s6], [sflag:s4] =	dma.local [hbm:s3], $0xF7A  }
0x26: {  	[smem:$0x3F9C] =	sst s1;
	(tag) =	ssettag s2;
	_ =	strace s9  }
0x27: {  	s1 =	sld [smem:$0x3FAC]  }
0x28: {  	s2 =	sld [smem:$0x3FAD]  }
0x29: {  	s4 =	sld [smem:$0x3FAF]  }
0x2a: {  	p0 =	seq.s32 s5, $0x0;
	s5 =	sld [smem:$0x3FB0]  }
0x2b: {  	s6 =	sld [smem:$0x3FB1]  }
0x2c: {  	s7 =	sld [smem:$0x3FB2]  }
0x2d: {  	s3 =	simm.s32 $0x108;
	s8 =	sld [smem:$0x3FB3]  }
0x2e: {  	s3 =	simm.s32 @!p0 $0x1082;
	s9 =	sld [smem:$0x3FB4]  }
0x2f: {  	lr =	sadd.s32 s0, s3;
	s0 =	sld [smem:$0x3FAB]  }
0x30: {  	s3 =	sld [smem:$0x3FAE]  }
0x31: {  	[smem:$0x3FB7] =	sst s10  }
0x32: {  	s10 =	sld [smem:$0x3FB5];
	_ =	sdelay $0x3  }
0x33: {  	p0 =	seq.s32 s10, $0x1;
	s10 =	sld [smem:$0x3FB7];
	_ =	sdelay $0x3  }
0x34: {  	[smem:$0x3FB7] =	sst s10  }
0x35: {  	s10 =	sld [smem:$0x3FB6];
	_ =	sdelay $0x3  }
0x36: {  	p1 =	seq.s32 s10, $0x1;
	s10 =	sld [smem:$0x3FB7];
	_ =	sdelay $0x3  }
0x37: {  	[smem:$0x3FB7] =	sst s10  }
0x38: {  	s10 =	sld [smem:$0x3FB8]  }
0x39: {  	_ = 	snop;
	(pc) =	sbr.ind lr, $3  }
0x3a: {  	_ = 	snop  }
0x3b: {  	_ = 	snop  }
0x3c: {  	p2 =	seq.s32 s10, $0x1;
	s10 =	sld [smem:$0x3FB7]  }
0x3d: {  	_ =	shalt  }
0x3e: {  	_ =	shalt  }
0x3f: {  	_ =	shalt  }
0x40: {  	_ =	shalt  }
0x41: {  	_ =	shalt  }
0x42: {  	_ =	shalt  }
0x43: {  	_ =	shalt  }
0x44: {  	_ =	shalt  }
0x45: {  	_ =	shalt  }
0x46: {  	_ =	shalt  }
0x47: {  	_ =	shalt  }
0x48: {  	_ =	shalt  }
0x49: {  	_ =	shalt  }
0x4a: {  	_ =	shalt  }
0x4b: {  	_ =	shalt  }
0x4c: {  	_ =	shalt  }
0x4d: {  	_ =	shalt  }
0x4e: {  	_ =	shalt  }
0x4f: {  	_ =	shalt  }
0x50: {  	_ =	shalt  }
0x51: {  	_ =	shalt  }
0x52: {  	_ =	shalt  }
0x53: {  	_ =	shalt  }
0x54: {  	_ =	shalt  }
0x55: {  	_ =	shalt  }
0x56: {  	_ =	shalt  }
0x57: {  	_ =	shalt  }
0x58: {  	_ =	shalt  }
0x59: {  	_ =	shalt  }
0x5a: {  	_ =	shalt  }
0x5b: {  	_ =	shalt  }
0x5c: {  	_ =	shalt  }
0x5d: {  	_ =	shalt  }
0x5e: {  	_ =	shalt  }
0x5f: {  	_ =	shalt  }
0x60: {  	_ =	shalt  }
0x61: {  	_ =	shalt  }
0x62: {  	_ =	shalt  }
0x63: {  	_ =	shalt  }
0x64: {  	_ =	shalt  }
0x65: {  	_ =	shalt  }
0x66: {  	_ =	shalt  }
0x67: {  	_ =	shalt  }
0x68: {  	_ =	shalt  }
0x69: {  	_ =	shalt  }
0x6a: {  	_ =	shalt  }
0x6b: {  	_ =	shalt  }
0x6c: {  	_ =	shalt  }
0x6d: {  	_ =	shalt  }
0x6e: {  	_ =	shalt  }
0x6f: {  	_ =	shalt  }
0x70: {  	_ =	shalt  }
0x71: {  	_ =	shalt  }
0x72: {  	_ =	shalt  }
0x73: {  	_ =	shalt  }
0x74: {  	_ =	shalt  }
0x75: {  	_ =	shalt  }
0x76: {  	_ =	shalt  }
0x77: {  	_ =	shalt  }
0x78: {  	_ =	shalt  }
0x79: {  	_ =	shalt  }
0x7a: {  	_ =	shalt  }
0x7b: {  	_ =	shalt  }
0x7c: {  	_ =	shalt  }
0x7d: {  	_ =	shalt  }
0x7e: {  	_ =	shalt  }
0x7f: {  	_ =	shalt  }
0x80: {  	_ =	shalt  }
0x81: {  	_ =	shalt  }
0x82: {  	_ =	shalt  }
0x83: {  	_ =	shalt  }
0x84: {  	_ =	shalt  }
0x85: {  	_ =	shalt  }
0x86: {  	_ =	shalt  }
0x87: {  	_ =	shalt  }
.Lfunc_end0:
.L_simem_size_0:
called_computation.1_lowered:
.L_overlay_start_0:
0x88: {  	s2 =	sld [smem:$0x3FD9]  }
0x89: {  	s3 =	sld [smem:$0x3FFE];
	_ =	sdelay $0x1  }
0x8a: {  	s1 =	srdreg.scid  }
0x8b: {  	s0 =	sand.u32 $0x1, s1  }
0x8c: {  	s17 =	sshll.u32 s0, $0xA;
	s2 =	sadd.s32 s3, s2  }
0x8d: {  	s2 =	sadd.s32 s2, s17  }
0x8e: {  	[smem:$0x3FC3] =	sst s2  }
0x8f: {  	_ = 	snop  }
0x90: {  	s2 =	sld [smem:$0x3FC7];
	(tm) =	ssettm $0x1  }
0x91: {  	s18 =	sld [smem:$0x3FFB];
	_ =	sdelay $0x3  }
0x92: {  	_ =	strace s18  }
0x93: {  	s3 =	sld [smem:$0x3FFC];
	_ =	sdelay $0x3  }
0x94: {  	_ =	strace s3  }
0x95: {  	s3 =	sld [smem:$0x3FFD];
	_ =	sdelay $0x3  }
0x96: {  	_ =	strace s3  }
0x97: {  	_ =	strace $0x8FFFFFFF  }
0x98: {  	s19 =	sld [smem:$0x3FDB];
	_ =	sdelay $0x1  }
0x99: {  	s4 =	simm.s32 $_scs_section_size  }
0x9a: {  	s5 =	simm.s32 $_size__tile_overlayer_lowered;
	s6 =	simm.s32 $_tile_overlayer_lowered  }
0x9b: {  	s22 =	simm.s32 $0x1BFF;
	s21 =	sshll.u32 s6, $0x1;
	s3 =	sadd.s32 s4, s19  }
0x9c: {  	s7 =	simm.s32 $0x0;
	s20 =	sshll.u32 s5, $0x1;
	s5 =	sadd.s32 s21, s3  }
0x9d: {  	[timem:s7], [sflag:s22] =	dma.local [hbm:s5], s20  }
0x9e: {  	_ =	swait.ge [sflag:s22], s20  }
0x9f: {  	s4 =	ssub.s32 $0x0, s20;
	[sflag:s22] =	ssyncset.done $0x0  }
0xa0: {  	[sflag:s22] =	ssyncadd.s32 s4;
	_ =	sdelay $0x1  }
0xa1: {  	s23 =	simm.s32 $0x1B8B  }
0xa2: {  	_ =	swait.ge [sflag:s23], $0x1  }
0xa3: {  	[sflag:s23] =	ssyncset.done $0x0  }
0xa4: {  	s25 =	simm.s32 $0x1B8E;
	s24 =	sld [smem:$0x3FFE];
	[sflag:s23] =	ssyncadd.s32 $0xFFFFFFFF  }
0xa5: {  	s26 =	simm.s32 $execute0_lowered;
	[smem:$0x3FD2] =	sst s25  }
0xa6: {  	s5 =	sshll.u32 s26, $0x1;
	_ =	strace $0x80000049;
	[dreg:$0x1] =	wrdreg $0xFFFFFFFF  }
0xa7: {  	s28 =	simm.s32 $_size_execute0_lowered;
	s3 =	sadd.s32 s3, s5;
	[dreg:$0x0] =	wrdreg $0x0  }
0xa8: {  	s5 =	sshll.u32 s28, $0x1;
	[dreg:$0x2] =	wrdreg s3  }
0xa9: {  	[dreg:$0x3] =	wrdreg s5  }
0xaa: {  	[dreg:$0x4] =	wrdreg $0xC0  }
0xab: {  	_ =	task [dreg:s7], $0x5FFFF  }
0xac: {  	[dreg:$0x1] =	wrdreg $0xFFFFFFFF  }
0xad: {  	[dreg:$0x0] =	wrdreg $0x60  }
0xae: {  	[dreg:$0x2] =	wrdreg s24  }
0xaf: {  	[dreg:$0x3] =	wrdreg s2  }
0xb0: {  	[dreg:$0x4] =	wrdreg $0x97800  }
0xb1: {  	[dreg:$0x5] =	wrdreg $0x9  }
0xb2: {  	_ =	task.clear_ibuf [dreg:s7], $0x6FFFF;
	_ =	strace $0x90000049  }
0xb3: {  	s29 =	simm.s32 $0x9;
	_ =	strace $0x8000004B  }
0xb4: {  	_ =	swait.ge [sflag:s29], $0x1  }
0xb5: {  	[sflag:s29] =	ssyncadd.s32 $0xFFFFFFFF  }
0xb6: {  	_ =	strace $0x9000004B  }
0xb7: {  	_ =	sfence  }
0xb8: {  	s30 =	sld [smem:$0x0];
	_ =	sdelay $0x2  }
0xb9: {  	s31 =	sshll.u32 s1, $0xD;
	s1 =	sshrl.u32 s1, $0x2  }
0xba: {  	s3 =	sand.u32 $0x4000, s31;
	s1 =	sadd.s32 s1, s30  }
0xbb: {  	s0 =	sor.u32 s3, s0;
	s1 =	sshll.u32 s1, $0x11  }
0xbc: {  	s0 =	sor.u32 s1, s0  }
0xbd: {  	s0 =	sadd.s32 $0x8F2B, s0  }
0xbe: {  	[sflag:s0] =	ssyncadd.remote.s32 $0x1  }
0xbf: {  	_ =	sfence.sel $0xFFFF  }
0xc0: {  	[dreg:$0x0] =	wrdreg $0xFFFFFFFF;
	(pc) =	sbr.abs _section_cstart, $3  }
0xc1: {  	[dreg:$0x1] =	wrdreg $0xFFFFFFFF  }
0xc2: {  	_ =	task.clear_ibuf [dreg:s7], $0x2FFFF;
	_ =	strace $0x9FFFFFFF  }
0xc3: {  	(tm) =	ssettm $0x7FFFFFFF  }
tec
execute0_lowered:
.L_overlay_start_1:
0x0: {  	(tag) =	ssettag $0x1  }
0x1: {  	s1 =	rddreg [dreg:$0x0];
	s2 =	srdreg.scid  }
0x2: {  	s0 =	stileid.u32;
	s9 =	rddreg [dreg:$0x1];
	s21 =	simm.s32 $0x7780  }
0x3: {  	s22 =	simm.s32 $0x2;
	s24 =	simm.s32 $0x4F00;
	s25 =	simm.s32 $0x50  }
0x4: {  	s26 =	simm.s32 $0x4F80;
	s28 =	simm.s32 $0x1;
	s29 =	simm.s32 $0x0  }
0x5: {  	s7 =	sand.u32 $0x1, s2;
	s3 =	sshll.u32 s0, $0x1;
	s11 =	smul.u32 $0x14000, s0  }
0x6: {  	s2 =	rddreg [dreg:$0x2];
	s5 =	sadd.s32 $0x15600, s1;
	s13 =	smul.u32 $0x50000, s0  }
0x7: {  	s6 =	sadd.s32 $0xB800, s1;
	s4 =	sor.u32 s7, s3;
	s8 =	smul.u32 $0x140000, s7  }
0x8: {  	s3 =	simm.s32 $0x0;
	s7 =	ssub.s32 $0x2, s7;
	s4 =	smul.u32 $0x2710, s4  }
0x9: {  	[smem:$0x7FF] =	sst s3;
	s31 =	sshrl.u32 s7, $0x1;
	s13 =	sshrl.u32 s13, $0x2  }
0xa: {  	_ =	strace $0x8000004A;
	s8 =	sadd.s32 s11, s8;
	s11 =	ssub.s32 s7, s31  }
0xb: {  	s7 =	sadd.s32 s13, s2;
	s10 =	sshrl.u32 s4, $0x3;
	s8 =	sshrl.u32 s8, $0x3  }
0xc: {  	s11 =	smax.u32 s11, $0x1;
	s13 =	sadd.s32 $0x4000, s7;
	s14 =	sadd.s32 $0x6000, s7  }
0xd: {  	s15 =	sadd.s32 $0x8000, s7;
	s16 =	sadd.s32 $0xA000, s7;
	s17 =	sadd.s32 $0xC000, s7  }
0xe: {  	s18 =	sadd.s32 $0xE000, s7;
	s19 =	sadd.s32 $0x10000, s7;
	s20 =	sadd.s32 $0x12000, s7  }
0xf: {  	s12 =	sadd.s32 s10, s1;
	s1 =	sadd.s32 s8, s1;
	s9 =	sadd.s32 s9, s10  }
0x10: {  	v0 =	vimm.f32 $0.0e+00;
	s8 =	sadd.s32 $0x1A00, s12;
	s10 =	sadd.s32 $0x3D600, s1;
	s12 =	sadd.s32 $0x2000, s7  }
.LBB2_1:
0x11: {  	s1 =	sand.u32 $0x7E00, s3  }
0x12: {  	s23 =	sand.u32 $0x70, s3;
	s30 =	sshrl.u32 s1, $0x2  }
0x13: {  	s1 =	simm.s32 $0x40;
	s30 =	sor.u32 s23, s30;
	s23 =	simm.s32 $0x0  }
.LBB2_2:
0x14: {  	p0 =	sne.s32 s1, $0x7FC0  }
0x15: {  	[tilespmem:s30+$0x7780] =	vst v0;
	s23 =	sadd.s32 $0x10, s23;
	s30 =	smov.u32 s1;
	s1 =	sadd.s32 $0x40, s1  }
.Ltmp0:
0x16: {  	(pc) =	sbr.rel @p0 .LBB2_2-.Ltmp0, $4  }
0x17: {  	_ = 	snop  }
0x18: {  	s30 =	sand.u32 $0x7E00, s30  }
0x19: {  	s31 =	sand.u32 $0x70, s23;
	s30 =	sshrl.u32 s30, $0x2  }
0x1a: {  	s30 =	sor.u32 s31, s30  }
0x1b: {  	[tilespmem:s30+$0x7780] =	vst v0  }
0x1c: {  	[spmem:s7] =	stream.linear.scatter [tilespmem:s21], [sflag:$0x2], $0x2000, $0x38;
	[tilespmem:$0x1D780] =	vst v63  }
0x1d: {  	_ =	swait.ge [sflag:s22], $0x2000  }
0x1e: {  	[sflag:s22] =	ssyncset.done $0x0  }
0x1f: {  	[sflag:s22] =	ssyncadd.s32 $0xFFFFE000  }
0x20: {  	[spmem:s12] =	stream.linear.scatter [tilespmem:s21], [sflag:$0x2], $0x2000, $0x38;
	[tilespmem:$0x1D780] =	vst v63  }
0x21: {  	_ =	swait.ge [sflag:s22], $0x2000  }
0x22: {  	[sflag:s22] =	ssyncset.done $0x0  }
0x23: {  	[sflag:s22] =	ssyncadd.s32 $0xFFFFE000  }
0x24: {  	[spmem:s13] =	stream.linear.scatter [tilespmem:s21], [sflag:$0x2], $0x2000, $0x38;
	[tilespmem:$0x1D780] =	vst v63  }
0x25: {  	_ =	swait.ge [sflag:s22], $0x2000  }
0x26: {  	[sflag:s22] =	ssyncset.done $0x0  }
0x27: {  	[sflag:s22] =	ssyncadd.s32 $0xFFFFE000  }
0x28: {  	[spmem:s14] =	stream.linear.scatter [tilespmem:s21], [sflag:$0x2], $0x2000, $0x38;
	[tilespmem:$0x1D780] =	vst v63  }
0x29: {  	_ =	swait.ge [sflag:s22], $0x2000  }
0x2a: {  	[sflag:s22] =	ssyncset.done $0x0  }
0x2b: {  	[sflag:s22] =	ssyncadd.s32 $0xFFFFE000  }
0x2c: {  	[spmem:s15] =	stream.linear.scatter [tilespmem:s21], [sflag:$0x2], $0x2000, $0x38;
	[tilespmem:$0x1D780] =	vst v63  }
0x2d: {  	_ =	swait.ge [sflag:s22], $0x2000  }
0x2e: {  	[sflag:s22] =	ssyncset.done $0x0  }
0x2f: {  	[sflag:s22] =	ssyncadd.s32 $0xFFFFE000  }
0x30: {  	[spmem:s16] =	stream.linear.scatter [tilespmem:s21], [sflag:$0x2], $0x2000, $0x38;
	[tilespmem:$0x1D780] =	vst v63  }
0x31: {  	_ =	swait.ge [sflag:s22], $0x2000  }
0x32: {  	[sflag:s22] =	ssyncset.done $0x0  }
0x33: {  	[sflag:s22] =	ssyncadd.s32 $0xFFFFE000  }
0x34: {  	[spmem:s17] =	stream.linear.scatter [tilespmem:s21], [sflag:$0x2], $0x2000, $0x38;
	[tilespmem:$0x1D780] =	vst v63  }
0x35: {  	_ =	swait.ge [sflag:s22], $0x2000  }
0x36: {  	[sflag:s22] =	ssyncset.done $0x0  }
0x37: {  	[sflag:s22] =	ssyncadd.s32 $0xFFFFE000  }
0x38: {  	[spmem:s18] =	stream.linear.scatter [tilespmem:s21], [sflag:$0x2], $0x2000, $0x38;
	[tilespmem:$0x1D780] =	vst v63  }
0x39: {  	_ =	swait.ge [sflag:s22], $0x2000  }
0x3a: {  	[sflag:s22] =	ssyncset.done $0x0  }
0x3b: {  	[sflag:s22] =	ssyncadd.s32 $0xFFFFE000  }
0x3c: {  	[spmem:s19] =	stream.linear.scatter [tilespmem:s21], [sflag:$0x2], $0x2000, $0x38;
	[tilespmem:$0x1D780] =	vst v63  }
0x3d: {  	_ =	swait.ge [sflag:s22], $0x2000  }
0x3e: {  	[sflag:s22] =	ssyncset.done $0x0  }
0x3f: {  	[sflag:s22] =	ssyncadd.s32 $0xFFFFE000  }
0x40: {  	[spmem:s20] =	stream.linear.scatter [tilespmem:s21], [sflag:$0x2], $0x2000, $0x38;
	[tilespmem:$0x1D780] =	vst v63  }
0x41: {  	_ =	swait.ge [sflag:s22], $0x2000  }
0x42: {  	[sflag:s22] =	ssyncset.done $0x0  }
0x43: {  	[sflag:s22] =	ssyncadd.s32 $0xFFFFE000  }
0x44: {  	s30 =	simm.s32 $0x0;
	[bflag:$0x0] =	sbarrier.arrive $0xFFFF  }
0x45: {  	[tilespmem:s30], [sflag:$0x2] =	stream.linear.gather [hbm4b:s8+s30], $0x2710, $0x38;
	[tilespmem:$0x1D780] =	vst v63  }
0x46: {  	_ =	swait.ge [sflag:s22], $0x2710  }
0x47: {  	[sflag:s22] =	ssyncset.done $0x0  }
0x48: {  	s1 =	simm.s32 $0x2780;
	[sflag:s22] =	ssyncadd.s32 $0xFFFFD8F0  }
0x49: {  	[tilespmem:s1], [sflag:$0x2] =	stream.linear.gather [hbm4b:s9+s30], $0x2710, $0x38;
	[tilespmem:$0x1D780] =	vst v63  }
0x4a: {  	_ =	swait.ge [sflag:s22], $0x2710  }
0x4b: {  	[sflag:s22] =	ssyncset.done $0x0  }
0x4c: {  	s31 =	simm.s32 $0x0;
	[sflag:s22] =	ssyncadd.s32 $0xFFFFD8F0  }
.LBB2_4:
0x4d: {  	s1 =	smul.u32 $0x50, s31;
	_ =	sdelay $0x1  }
0x4e: {  	s23 =	sadd.s32 s4, s1  }
0x4f: {  	s23 =	sshrl.u32 s23, $0x3  }
0x50: {  	s23 =	sadd.s32 s6, s23  }
0x51: {  	[tilespmem:s24], [sflag:$0x2] =	stream.linear.gather [hbm4b:s23+s30], $0x50, $0x38;
	[tilespmem:$0x1D780] =	vst v63  }
0x52: {  	_ =	swait.ge [sflag:s22], $0x50  }
0x53: {  	[sflag:s22] =	ssyncset.done $0x0  }
0x54: {  	[sflag:s22] =	ssyncadd.s32 $0xFFFFFFB0  }
0x55: {  	[tilespmem:s26], [sflag:$0x1] =	stream.indirect.gather [hbm4b:s5+s25], $0x80, s1, s25, $0xb8;
	[tilespmem:$0x1D780] =	vst v63  }
0x56: {  	s1 =	sadd.s32 $0x2780, s1  }
0x57: {  	_ =	swait.ge [sflag:s28], $0x2800;
	v1 =	vmov s1  }
0x58: {  	[sflag:s28] =	ssyncset.done $0x0  }
0x59: {  	s1 =	simm.s32 $0x0;
	[sflag:s28] =	ssyncadd.s32 $0xFFFFD800  }
.LBB2_5:
0x5a: {  	s23 =	sshll.u32 s1, $0x4  }
0x5b: {  	s23 =	sand.u32 $0x3FFFFFF0, s23  }
0x5c: {  	v2 =	vld.idx.msk [tilespmem:v1+s23+$0x0 ss:$0x1], $0xffff;
	_ =	sdelay $0x4  }
0x5d: {  	v2 =	vsub.f32 $0.0e+00, v2;
	_ =	sdelay $0x1  }
0x5e: {  	v2 =	vmul.f32 $1.442695020e+00, v2;
	_ =	sdelay $0x1  }
0x5f: {  	(erf) = vpow2.f32 v2;
	_ =	sdelay $0x8  }
0x60: {  	v2 =	vpop (erf)  }
0x61: {  	v2 =	vadd.f32 $1.000000000e+00, v2;
	_ =	sdelay $0x1  }
0x62: {  	(erf) = vrcp.f32 v2;
	_ =	sdelay $0x4  }
0x63: {  	s23 =	sshll.u32 s1, $0xB  }
0x64: {  	s23 =	sand.u32 $0x3FFFF800, s23  }
0x65: {  	v3 =	vld [tilespmem:s23+$0x4F80]  }
0x66: {  	v4 =	vld [tilespmem:s23+$0x4F90]  }
0x67: {  	v5 =	vld [tilespmem:s23+$0x4FA0];
	v2 =	vpop (erf)  }
0x68: {  	v7 =	vld [tilespmem:s23+$0x4FB0];
	v6 =	vbroadcast v2, $0x0  }
0x69: {  	v8 =	vld [tilespmem:s23+$0x4FC0]  }
0x6a: {  	v9 =	vld [tilespmem:s23+$0x4FD0];
	v3 =	vmul.f32 v6, v3  }
0x6b: {  	v10 =	vld [tilespmem:s23+$0x4FE0];
	v4 =	vmul.f32 v6, v4  }
0x6c: {  	v24 =	vld [tilespmem:s23+$0x4FF0];
	[tilespmem:s23+$0x4F80] =	vst v3;
	v3 =	vmul.f32 v6, v5  }
0x6d: {  	v26 =	vld [tilespmem:s23+$0x5000];
	v25 =	vmul.f32 v7, v6;
	[tilespmem:s23+$0x4F90] =	vst v4  }
0x6e: {  	v27 =	vld [tilespmem:s23+$0x5010];
	[tilespmem:s23+$0x4FA0] =	vst v3;
	v3 =	vmul.f32 v8, v6  }
0x6f: {  	v29 =	vld [tilespmem:s23+$0x5020];
	v28 =	vmul.f32 v9, v6;
	[tilespmem:s23+$0x4FB0] =	vst v25  }
0x70: {  	v11 =	vld [tilespmem:s23+$0x5030];
	v30 =	vbroadcast v2, $0x1;
	[tilespmem:s23+$0x4FC0] =	vst v3;
	v3 =	vmul.f32 v10, v6  }
0x71: {  	v32 =	vld [tilespmem:s23+$0x5040];
	v31 =	vmul.f32 v24, v6;
	[tilespmem:s23+$0x4FD0] =	vst v28  }
0x72: {  	v33 =	vld [tilespmem:s23+$0x5050];
	[tilespmem:s23+$0x4FE0] =	vst v3;
	v3 =	vmul.f32 v26, v30  }
0x73: {  	v35 =	vld [tilespmem:s23+$0x5060];
	v34 =	vmul.f32 v27, v30;
	[tilespmem:s23+$0x4FF0] =	vst v31  }
0x74: {  	v36 =	vld [tilespmem:s23+$0x5070];
	[tilespmem:s23+$0x5000] =	vst v3;
	v3 =	vmul.f32 v29, v30  }
0x75: {  	v38 =	vld [tilespmem:s23+$0x5080];
	v37 =	vmul.f32 v11, v30;
	[tilespmem:s23+$0x5010] =	vst v34  }
0x76: {  	v39 =	vld [tilespmem:s23+$0x5090];
	[tilespmem:s23+$0x5020] =	vst v3;
	v3 =	vmul.f32 v32, v30  }
0x77: {  	v41 =	vld [tilespmem:s23+$0x50A0];
	v40 =	vmul.f32 v33, v30;
	[tilespmem:s23+$0x5030] =	vst v37  }
0x78: {  	v43 =	vld [tilespmem:s23+$0x50B0];
	v42 =	vbroadcast v2, $0x2;
	[tilespmem:s23+$0x5040] =	vst v3;
	v3 =	vmul.f32 v35, v30  }
0x79: {  	v45 =	vld [tilespmem:s23+$0x50C0];
	v44 =	vmul.f32 v36, v30;
	[tilespmem:s23+$0x5050] =	vst v40  }
0x7a: {  	v46 =	vld [tilespmem:s23+$0x50D0];
	[tilespmem:s23+$0x5060] =	vst v3;
	v3 =	vmul.f32 v38, v42  }
0x7b: {  	v48 =	vld [tilespmem:s23+$0x50E0];
	v47 =	vmul.f32 v39, v42;
	[tilespmem:s23+$0x5070] =	vst v44  }
0x7c: {  	v49 =	vld [tilespmem:s23+$0x50F0];
	[tilespmem:s23+$0x5080] =	vst v3;
	v3 =	vmul.f32 v41, v42  }
0x7d: {  	v51 =	vld [tilespmem:s23+$0x5100];
	v50 =	vmul.f32 v43, v42;
	[tilespmem:s23+$0x5090] =	vst v47  }
0x7e: {  	v52 =	vld [tilespmem:s23+$0x5110];
	[tilespmem:s23+$0x50A0] =	vst v3;
	v3 =	vmul.f32 v45, v42  }
0x7f: {  	v54 =	vld [tilespmem:s23+$0x5120];
	v53 =	vmul.f32 v46, v42;
	[tilespmem:s23+$0x50B0] =	vst v50  }
0x80: {  	v56 =	vld [tilespmem:s23+$0x5130];
	v55 =	vbroadcast v2, $0x3;
	[tilespmem:s23+$0x50C0] =	vst v3;
	v3 =	vmul.f32 v48, v42  }
0x81: {  	v58 =	vld [tilespmem:s23+$0x5140];
	v57 =	vmul.f32 v49, v42;
	[tilespmem:s23+$0x50D0] =	vst v53  }
0x82: {  	v59 =	vld [tilespmem:s23+$0x5150];
	[tilespmem:s23+$0x50E0] =	vst v3;
	v3 =	vmul.f32 v51, v55  }
0x83: {  	v61 =	vld [tilespmem:s23+$0x5160];
	v60 =	vmul.f32 v52, v55;
	[tilespmem:s23+$0x50F0] =	vst v57  }
0x84: {  	v62 =	vld [tilespmem:s23+$0x5170];
	[tilespmem:s23+$0x5100] =	vst v3;
	v3 =	vmul.f32 v54, v55  }
0x85: {  	v12 =	vld [tilespmem:s23+$0x5180];
	v63 =	vmul.f32 v56, v55;
	[tilespmem:s23+$0x5110] =	vst v60  }
0x86: {  	v13 =	vld [tilespmem:s23+$0x5190];
	[tilespmem:s23+$0x5120] =	vst v3;
	v3 =	vmul.f32 v58, v55  }
0x87: {  	v15 =	vld [tilespmem:s23+$0x51A0];
	v14 =	vmul.f32 v59, v55;
	[tilespmem:s23+$0x5130] =	vst v63  }
0x88: {  	v17 =	vld [tilespmem:s23+$0x51B0];
	v16 =	vbroadcast v2, $0x4;
	[tilespmem:s23+$0x5140] =	vst v3;
	v3 =	vmul.f32 v61, v55  }
0x89: {  	v19 =	vld [tilespmem:s23+$0x51C0];
	v18 =	vmul.f32 v62, v55;
	[tilespmem:s23+$0x5150] =	vst v14  }
0x8a: {  	v20 =	vld [tilespmem:s23+$0x51D0];
	[tilespmem:s23+$0x5160] =	vst v3;
	v3 =	vmul.f32 v12, v16  }
0x8b: {  	v22 =	vld [tilespmem:s23+$0x51E0];
	v21 =	vmul.f32 v13, v16;
	[tilespmem:s23+$0x5170] =	vst v18  }
0x8c: {  	v23 =	vld [tilespmem:s23+$0x51F0];
	[tilespmem:s23+$0x5180] =	vst v3;
	v3 =	vmul.f32 v15, v16  }
0x8d: {  	v24 =	vmul.f32 v17, v16;
	[tilespmem:s23+$0x5190] =	vst v21;
	v25 =	vld [tilespmem:s23+$0x5200]  }
0x8e: {  	v33 =	vld [tilespmem:s23+$0x5250];
	[tilespmem:s23+$0x51A0] =	vst v3;
	v3 =	vmul.f32 v19, v16  }
0x8f: {  	v27 =	vmul.f32 v20, v16;
	[tilespmem:s23+$0x51B0] =	vst v24;
	v28 =	vld [tilespmem:s23+$0x5220]  }
0x90: {  	v36 =	vld [tilespmem:s23+$0x5270];
	v29 =	vbroadcast v2, $0x5;
	[tilespmem:s23+$0x51C0] =	vst v3;
	v3 =	vmul.f32 v22, v16  }
0x91: {  	[tilespmem:s23+$0x51D0] =	vst v27;
	v31 =	vmul.f32 v23, v16;
	v32 =	vld [tilespmem:s23+$0x5240]  }
0x92: {  	v26 =	vld [tilespmem:s23+$0x5210];
	[tilespmem:s23+$0x51E0] =	vst v3;
	v3 =	vmul.f32 v25, v29  }
0x93: {  	[tilespmem:s23+$0x51F0] =	vst v31;
	v40 =	vmul.f32 v33, v29;
	v35 =	vld [tilespmem:s23+$0x5260]  }
0x94: {  	v30 =	vld [tilespmem:s23+$0x5230];
	[tilespmem:s23+$0x5200] =	vst v3;
	v3 =	vmul.f32 v28, v29  }
0x95: {  	v44 =	vmul.f32 v36, v29;
	[tilespmem:s23+$0x5250] =	vst v40;
	v38 =	vld [tilespmem:s23+$0x5280]  }
0x96: {  	v39 =	vld [tilespmem:s23+$0x5290];
	[tilespmem:s23+$0x5220] =	vst v3;
	v3 =	vmul.f32 v32, v29  }
0x97: {  	v34 =	vmul.f32 v26, v29;
	[tilespmem:s23+$0x5270] =	vst v44;
	v41 =	vld [tilespmem:s23+$0x52A0]  }
0x98: {  	v43 =	vld [tilespmem:s23+$0x52B0];
	v42 =	vbroadcast v2, $0x6;
	[tilespmem:s23+$0x5240] =	vst v3;
	v3 =	vmul.f32 v35, v29  }
0x99: {  	[tilespmem:s23+$0x5210] =	vst v34;
	v37 =	vmul.f32 v30, v29;
	v45 =	vld [tilespmem:s23+$0x52C0]  }
0x9a: {  	v46 =	vld [tilespmem:s23+$0x52D0];
	[tilespmem:s23+$0x5260] =	vst v3;
	v3 =	vmul.f32 v38, v42  }
0x9b: {  	[tilespmem:s23+$0x5230] =	vst v37;
	v48 =	vld [tilespmem:s23+$0x52E0];
	v47 =	vmul.f32 v39, v42  }
0x9c: {  	v49 =	vld [tilespmem:s23+$0x52F0];
	[tilespmem:s23+$0x5280] =	vst v3;
	v3 =	vmul.f32 v41, v42  }
0x9d: {  	v50 =	vmul.f32 v43, v42;
	v51 =	vld [tilespmem:s23+$0x5300];
	[tilespmem:s23+$0x5290] =	vst v47  }
0x9e: {  	v52 =	vld [tilespmem:s23+$0x5310];
	[tilespmem:s23+$0x52A0] =	vst v3;
	v3 =	vmul.f32 v45, v42  }
0x9f: {  	v53 =	vmul.f32 v46, v42;
	[tilespmem:s23+$0x52B0] =	vst v50;
	v54 =	vld [tilespmem:s23+$0x5320]  }
0xa0: {  	v56 =	vld [tilespmem:s23+$0x5330];
	v55 =	vbroadcast v2, $0x7;
	[tilespmem:s23+$0x52C0] =	vst v3;
	v3 =	vmul.f32 v48, v42  }
0xa1: {  	v57 =	vmul.f32 v49, v42;
	[tilespmem:s23+$0x52D0] =	vst v53;
	v58 =	vld [tilespmem:s23+$0x5340]  }
0xa2: {  	v59 =	vld [tilespmem:s23+$0x5350];
	[tilespmem:s23+$0x52E0] =	vst v3;
	v3 =	vmul.f32 v51, v55  }
0xa3: {  	[tilespmem:s23+$0x52F0] =	vst v57;
	v61 =	vld [tilespmem:s23+$0x5360];
	v60 =	vmul.f32 v52, v55  }
0xa4: {  	v62 =	vld [tilespmem:s23+$0x5370];
	[tilespmem:s23+$0x5300] =	vst v3;
	v3 =	vmul.f32 v54, v55  }
0xa5: {  	v63 =	vmul.f32 v56, v55;
	v12 =	vld [tilespmem:s23+$0x5380];
	[tilespmem:s23+$0x5310] =	vst v60  }
0xa6: {  	v13 =	vld [tilespmem:s23+$0x5390];
	[tilespmem:s23+$0x5320] =	vst v3;
	v3 =	vmul.f32 v58, v55  }
0xa7: {  	v14 =	vmul.f32 v59, v55;
	[tilespmem:s23+$0x5330] =	vst v63;
	v15 =	vld [tilespmem:s23+$0x53A0]  }
0xa8: {  	v17 =	vld [tilespmem:s23+$0x53B0];
	v16 =	vbroadcast v2, $0x8;
	[tilespmem:s23+$0x5340] =	vst v3;
	v3 =	vmul.f32 v61, v55  }
0xa9: {  	v18 =	vmul.f32 v62, v55;
	[tilespmem:s23+$0x5350] =	vst v14;
	v19 =	vld [tilespmem:s23+$0x53C0]  }
0xaa: {  	v20 =	vld [tilespmem:s23+$0x53D0];
	[tilespmem:s23+$0x5360] =	vst v3;
	v3 =	vmul.f32 v12, v16  }
0xab: {  	[tilespmem:s23+$0x5370] =	vst v18;
	v22 =	vld [tilespmem:s23+$0x53E0];
	v21 =	vmul.f32 v13, v16  }
0xac: {  	v23 =	vld [tilespmem:s23+$0x53F0];
	[tilespmem:s23+$0x5380] =	vst v3;
	v3 =	vmul.f32 v15, v16  }
0xad: {  	v24 =	vmul.f32 v17, v16;
	v25 =	vld [tilespmem:s23+$0x5400];
	[tilespmem:s23+$0x5390] =	vst v21  }
0xae: {  	v26 =	vld [tilespmem:s23+$0x5410];
	[tilespmem:s23+$0x53A0] =	vst v3;
	v3 =	vmul.f32 v19, v16  }
0xaf: {  	v27 =	vmul.f32 v20, v16;
	[tilespmem:s23+$0x53B0] =	vst v24;
	v28 =	vld [tilespmem:s23+$0x5420]  }
0xb0: {  	v30 =	vld [tilespmem:s23+$0x5430];
	v29 =	vbroadcast v2, $0x9;
	[tilespmem:s23+$0x53C0] =	vst v3;
	v3 =	vmul.f32 v22, v16  }
0xb1: {  	v31 =	vmul.f32 v23, v16;
	[tilespmem:s23+$0x53D0] =	vst v27;
	v32 =	vld [tilespmem:s23+$0x5440]  }
0xb2: {  	v33 =	vld [tilespmem:s23+$0x5450];
	[tilespmem:s23+$0x53E0] =	vst v3;
	v3 =	vmul.f32 v25, v29  }
0xb3: {  	[tilespmem:s23+$0x53F0] =	vst v31;
	v35 =	vld [tilespmem:s23+$0x5460];
	v34 =	vmul.f32 v26, v29  }
0xb4: {  	v36 =	vld [tilespmem:s23+$0x5470];
	[tilespmem:s23+$0x5400] =	vst v3;
	v3 =	vmul.f32 v28, v29  }
0xb5: {  	v37 =	vmul.f32 v30, v29;
	v38 =	vld [tilespmem:s23+$0x5480];
	[tilespmem:s23+$0x5410] =	vst v34  }
0xb6: {  	v39 =	vld [tilespmem:s23+$0x5490];
	[tilespmem:s23+$0x5420] =	vst v3;
	v3 =	vmul.f32 v32, v29  }
0xb7: {  	v40 =	vmul.f32 v33, v29;
	[tilespmem:s23+$0x5430] =	vst v37;
	v41 =	vld [tilespmem:s23+$0x54A0]  }
0xb8: {  	v43 =	vld [tilespmem:s23+$0x54B0];
	v42 =	vbroadcast v2, $0xA;
	[tilespmem:s23+$0x5440] =	vst v3;
	v3 =	vmul.f32 v35, v29  }
0xb9: {  	v44 =	vmul.f32 v36, v29;
	[tilespmem:s23+$0x5450] =	vst v40;
	v45 =	vld [tilespmem:s23+$0x54C0]  }
0xba: {  	v46 =	vld [tilespmem:s23+$0x54D0];
	[tilespmem:s23+$0x5460] =	vst v3;
	v3 =	vmul.f32 v38, v42  }
0xbb: {  	[tilespmem:s23+$0x5470] =	vst v44;
	v48 =	vld [tilespmem:s23+$0x54E0];
	v47 =	vmul.f32 v39, v42  }
0xbc: {  	v49 =	vld [tilespmem:s23+$0x54F0];
	[tilespmem:s23+$0x5480] =	vst v3;
	v3 =	vmul.f32 v41, v42  }
0xbd: {  	v50 =	vmul.f32 v43, v42;
	v51 =	vld [tilespmem:s23+$0x5500];
	[tilespmem:s23+$0x5490] =	vst v47  }
0xbe: {  	v52 =	vld [tilespmem:s23+$0x5510];
	[tilespmem:s23+$0x54A0] =	vst v3;
	v3 =	vmul.f32 v45, v42  }
0xbf: {  	v53 =	vmul.f32 v46, v42;
	[tilespmem:s23+$0x54B0] =	vst v50;
	v54 =	vld [tilespmem:s23+$0x5520]  }
0xc0: {  	v56 =	vld [tilespmem:s23+$0x5530];
	v55 =	vbroadcast v2, $0xB;
	[tilespmem:s23+$0x54C0] =	vst v3;
	v3 =	vmul.f32 v48, v42  }
0xc1: {  	v57 =	vmul.f32 v49, v42;
	[tilespmem:s23+$0x54D0] =	vst v53;
	v58 =	vld [tilespmem:s23+$0x5540]  }
0xc2: {  	v59 =	vld [tilespmem:s23+$0x5550];
	[tilespmem:s23+$0x54E0] =	vst v3;
	v3 =	vmul.f32 v51, v55  }
0xc3: {  	[tilespmem:s23+$0x54F0] =	vst v57;
	v61 =	vld [tilespmem:s23+$0x5560];
	v60 =	vmul.f32 v52, v55  }
0xc4: {  	v62 =	vld [tilespmem:s23+$0x5570];
	[tilespmem:s23+$0x5500] =	vst v3;
	v3 =	vmul.f32 v54, v55  }
0xc5: {  	v63 =	vmul.f32 v56, v55;
	v12 =	vld [tilespmem:s23+$0x5580];
	[tilespmem:s23+$0x5510] =	vst v60  }
0xc6: {  	v13 =	vld [tilespmem:s23+$0x5590];
	[tilespmem:s23+$0x5520] =	vst v3;
	v3 =	vmul.f32 v58, v55  }
0xc7: {  	v14 =	vmul.f32 v59, v55;
	[tilespmem:s23+$0x5530] =	vst v63;
	v15 =	vld [tilespmem:s23+$0x55A0]  }
0xc8: {  	v17 =	vld [tilespmem:s23+$0x55B0];
	v16 =	vbroadcast v2, $0xC;
	[tilespmem:s23+$0x5540] =	vst v3;
	v3 =	vmul.f32 v61, v55  }
0xc9: {  	v18 =	vmul.f32 v62, v55;
	[tilespmem:s23+$0x5550] =	vst v14;
	v19 =	vld [tilespmem:s23+$0x55C0]  }
0xca: {  	v20 =	vld [tilespmem:s23+$0x55D0];
	[tilespmem:s23+$0x5560] =	vst v3;
	v3 =	vmul.f32 v12, v16  }
0xcb: {  	[tilespmem:s23+$0x5570] =	vst v18;
	v22 =	vld [tilespmem:s23+$0x55E0];
	v21 =	vmul.f32 v13, v16  }
0xcc: {  	v23 =	vld [tilespmem:s23+$0x55F0];
	[tilespmem:s23+$0x5580] =	vst v3;
	v3 =	vmul.f32 v15, v16  }
0xcd: {  	v24 =	vmul.f32 v17, v16;
	v25 =	vld [tilespmem:s23+$0x5600];
	[tilespmem:s23+$0x5590] =	vst v21  }
0xce: {  	v26 =	vld [tilespmem:s23+$0x5610];
	[tilespmem:s23+$0x55A0] =	vst v3;
	v3 =	vmul.f32 v19, v16  }
0xcf: {  	v27 =	vmul.f32 v20, v16;
	[tilespmem:s23+$0x55B0] =	vst v24;
	v28 =	vld [tilespmem:s23+$0x5620]  }
0xd0: {  	v30 =	vld [tilespmem:s23+$0x5630];
	v29 =	vbroadcast v2, $0xD;
	[tilespmem:s23+$0x55C0] =	vst v3;
	v3 =	vmul.f32 v22, v16  }
0xd1: {  	v31 =	vmul.f32 v23, v16;
	[tilespmem:s23+$0x55D0] =	vst v27;
	v32 =	vld [tilespmem:s23+$0x5640]  }
0xd2: {  	v33 =	vld [tilespmem:s23+$0x5650];
	[tilespmem:s23+$0x55E0] =	vst v3;
	v3 =	vmul.f32 v25, v29  }
0xd3: {  	[tilespmem:s23+$0x55F0] =	vst v31;
	v35 =	vld [tilespmem:s23+$0x5660];
	v34 =	vmul.f32 v26, v29  }
0xd4: {  	v36 =	vld [tilespmem:s23+$0x5670];
	[tilespmem:s23+$0x5600] =	vst v3;
	v3 =	vmul.f32 v28, v29  }
0xd5: {  	v37 =	vmul.f32 v30, v29;
	v38 =	vld [tilespmem:s23+$0x5680];
	[tilespmem:s23+$0x5610] =	vst v34  }
0xd6: {  	v39 =	vld [tilespmem:s23+$0x5690];
	[tilespmem:s23+$0x5620] =	vst v3;
	v3 =	vmul.f32 v32, v29  }
0xd7: {  	v40 =	vmul.f32 v33, v29;
	[tilespmem:s23+$0x5630] =	vst v37;
	v41 =	vld [tilespmem:s23+$0x56A0]  }
0xd8: {  	v43 =	vld [tilespmem:s23+$0x56B0];
	v42 =	vbroadcast v2, $0xE;
	[tilespmem:s23+$0x5640] =	vst v3;
	v3 =	vmul.f32 v35, v29  }
0xd9: {  	v44 =	vmul.f32 v36, v29;
	[tilespmem:s23+$0x5650] =	vst v40;
	v45 =	vld [tilespmem:s23+$0x56C0]  }
0xda: {  	v46 =	vld [tilespmem:s23+$0x56D0];
	[tilespmem:s23+$0x5660] =	vst v3;
	v3 =	vmul.f32 v38, v42  }
0xdb: {  	[tilespmem:s23+$0x5670] =	vst v44;
	v48 =	vld [tilespmem:s23+$0x56E0];
	v47 =	vmul.f32 v39, v42  }
0xdc: {  	v49 =	vld [tilespmem:s23+$0x56F0];
	[tilespmem:s23+$0x5680] =	vst v3;
	v3 =	vmul.f32 v41, v42  }
0xdd: {  	v50 =	vmul.f32 v43, v42;
	v51 =	vld [tilespmem:s23+$0x5700];
	[tilespmem:s23+$0x5690] =	vst v47  }
0xde: {  	v52 =	vld [tilespmem:s23+$0x5710];
	[tilespmem:s23+$0x56A0] =	vst v3;
	v3 =	vmul.f32 v45, v42  }
0xdf: {  	v53 =	vmul.f32 v46, v42;
	[tilespmem:s23+$0x56B0] =	vst v50;
	v54 =	vld [tilespmem:s23+$0x5720]  }
0xe0: {  	v2 =	vbroadcast v2, $0xF;
	v58 =	vld [tilespmem:s23+$0x5750];
	[tilespmem:s23+$0x56C0] =	vst v3;
	v3 =	vmul.f32 v48, v42  }
0xe1: {  	v57 =	vld [tilespmem:s23+$0x5740];
	v56 =	vmul.f32 v49, v42;
	[tilespmem:s23+$0x56D0] =	vst v53  }
0xe2: {  	v55 =	vld [tilespmem:s23+$0x5730];
	[tilespmem:s23+$0x56E0] =	vst v3;
	v3 =	vmul.f32 v51, v2  }
0xe3: {  	v60 =	vld [tilespmem:s23+$0x5760];
	v59 =	vmul.f32 v52, v2;
	[tilespmem:s23+$0x56F0] =	vst v56  }
0xe4: {  	v61 =	vld [tilespmem:s23+$0x5770];
	[tilespmem:s23+$0x5700] =	vst v3;
	v3 =	vmul.f32 v54, v2  }
0xe5: {  	[tilespmem:s23+$0x5710] =	vst v59;
	v63 =	vmul.f32 v58, v2  }
0xe6: {  	p0 =	sne.s32 s1, $0x4;
	[tilespmem:s23+$0x5720] =	vst v3;
	v3 =	vmul.f32 v57, v2  }
.Ltmp1:
0xe7: {  	v62 =	vmul.f32 v55, v2;
	[tilespmem:s23+$0x5750] =	vst v63;
	(pc) =	sbr.rel @p0 .LBB2_5-.Ltmp1, $4  }
0xe8: {  	[tilespmem:s23+$0x5740] =	vst v3;
	v3 =	vmul.f32 v60, v2  }
0xe9: {  	[tilespmem:s23+$0x5730] =	vst v62;
	v2 =	vmul.f32 v61, v2  }
0xea: {  	[tilespmem:s23+$0x5760] =	vst v3  }
0xeb: {  	s1 =	sadd.s32 $0x1, s1;
	[tilespmem:s23+$0x5770] =	vst v2  }
0xec: {  	s31 =	sadd.s32 $0x1, s31  }
0xed: {  	p0 =	sne.s32 s31, $0x7D  }
.Ltmp2:
0xee: {  	_ = 	snop;
	(pc) =	sbr.rel @p0 .LBB2_4-.Ltmp2, $4  }
0xef: {  	[spmem:s2] =	stream.indirect.scatter.add.f32 [tilespmem:s26], [sflag:$0x2], $0x80, s24, s25, $0xb8;
	[tilespmem:$0x1D780] =	vst v63  }
0xf0: {  	_ =	swait.ge [sflag:s22], $0x2800  }
0xf1: {  	[sflag:s22] =	ssyncset.done $0x0  }
0xf2: {  	[sflag:s22] =	ssyncadd.s32 $0xFFFFD800  }
0xf3: {  	s29 =	sadd.s32 $0x1, s29  }
0xf4: {  	s1 =	sshll.u32 s0, $0x6;
	[bflag:$0x0] =	sbarrier.arrive $0xFFFF;
	p0 =	sne.s32 s29, s11  }
.Ltmp3:
0xf5: {  	s23 =	sshrl.u32 s7, $0x3;
	s1 =	sor.u32 $0x1C02, s1;
	(pc) =	sbr.rel @p0 .LBB2_1-.Ltmp3, $4  }
0xf6: {  	[hbm:s10], [sflag:s1] =	dma.local [spmem:s23], $0x2800  }
0xf7: {  	_ =	swait.ge [sflag:s22], $0x2800  }
0xf8: {  	[sflag:s22] =	ssyncset.done $0x0  }
0xf9: {  	[sflag:s22] =	ssyncadd.s32 $0xFFFFD800  }
0xfa: {  	_ =	sfence.sel $0x180000  }
0xfb: {  	[bflag:$0x0] =	sbarrier.arrive $0xFFFF  }
0xfc: {  	_ =	strace $0x9000004A  }
0xfd: {  	[bflag:$0x2] =	sbarrier.arrive $0xFFFF  }
0xfe: {  	p0 =	sne.s32 s0, $0x0;
	s0 =	rddreg [dreg:$0x3]  }
0xff: {  	s0 =	sadd.s32 @!p0 $0x100000, s0  }
0x100: {  	[sflag:s0] =	ssyncadd.tile.s32 @!p0 $0x1;
	_ =	shalt  }
.Lfunc_end2:
_tile_overlayer_lowered:
.L_overlay_start_2:
0x101: {  	(tag) =	ssettag $0x2  }
0x102: {  	s0 =	rddreg [dreg:$0x0];
	s2 =	stileid.u32  }
0x103: {  	s1 =	rddreg [dreg:$0x1];
	p0 =	sne.s32 s2, $0x0  }
0x104: {  	s3 =	rddreg [dreg:$0x2];
	[bflag:$0x3] =	sbarrier.arrive $0xFFFF;
	s2 =	simm.s32 @!p0 $0x1C02  }
0x105: {  	[timem:s3], [sflag:s2] =	dma.local @!p0 [hbm:s0], s1  }
0x106: {  	s0 =	simm.s32 @!p0 $0x2  }
0x107: {  	_ =	swait.ge @!p0 [sflag:s0], s1  }
0x108: {  	s1 =	ssub.s32 @!p0 $0x0, s1;
	[sflag:s0] =	ssyncset.done @!p0 $0x0  }
0x109: {  	[sflag:s0] =	ssyncadd.s32 @!p0 s1  }
0x10a: {  	[bflag:$0x3] =	sbarrier.arrive $0xFFFF  }
0x10b: {  	_ =	shalt  }

</sc_bundles>
